<compile_context>
chip_gen: v7x
topology: tpu7x:2x2x1
jax: 0.10.2.dev20260603
libtpu: 0.0.44.dev20260713+nightly
codegen_flags: <defaults>
</compile_context>

<pallas_src>
import dataclasses
import functools

import jax
import jax.numpy as jnp
from jax import lax
from jax.experimental import pallas as pl
from jax.experimental.pallas import tpu as pltpu
from jax.experimental.pallas import tpu_sc as plsc

_PRIMES = [251, 509, 1021, 2039, 4093, 8191, 997, 1999]
_K = 8
_D_HASH = 128
_D_MODEL = 1024
_EPS = 1e-6
_NTOK = 4 * 4096
_NW = 32
_CHUNK = 128
_NSLICE = 1
_BM = 1024

_OFFSETS = [0]
for _p in _PRIMES[:-1]:
    _OFFSETS.append(_OFFSETS[-1] + _p)


def _sc_gather(tok_slice, stacked, primes16, off16):
    ntok = tok_slice.shape[0]
    tok_per_w = ntok // _NW
    nchunk = tok_per_w * _K // _CHUNK
    mesh = plsc.VectorSubcoreMesh(core_axis_name="c", subcore_axis_name="s")
    cp = pltpu.CompilerParams()
    if "needs_layout_passes" in pltpu.CompilerParams.__dataclass_fields__:
        cp = dataclasses.replace(cp, needs_layout_passes=False)

    @functools.partial(
        pl.kernel,
        mesh=mesh,
        compiler_params=cp,
        out_type=jax.ShapeDtypeStruct((ntok * _K, _D_HASH), jnp.float32),
        scratch_types=[
            pltpu.VMEM((tok_per_w,), jnp.int32),
            pltpu.VMEM((16,), jnp.int32),
            pltpu.VMEM((16,), jnp.int32),
            pltpu.VMEM((nchunk, _CHUNK), jnp.int32),
            pltpu.VMEM((2 * _CHUNK, _D_HASH), jnp.float32),
            pltpu.VMEM((2 * _CHUNK, _D_HASH), jnp.float32),
            pltpu.SemaphoreType.DMA,
            pltpu.SemaphoreType.DMA,
            pltpu.SemaphoreType.DMA,
            pltpu.SemaphoreType.DMA,
            pltpu.SemaphoreType.DMA,
            pltpu.SemaphoreType.DMA,
        ],
    )
    def k(tok_hbm, stk_hbm, p_hbm, o_hbm, x_hbm,
          tok_v, p_v, o_v, idx_v, buf_a, buf_b,
          ga0, ga1, gb0, gb1, cas, cbs):
        gasems = [ga0, ga1]
        gbsems = [gb0, gb1]
        wid = lax.axis_index("s") * 2 + lax.axis_index("c")
        tbase = wid * tok_per_w
        rbase = wid * (tok_per_w * _K)
        pltpu.sync_copy(tok_hbm.at[pl.ds(tbase, tok_per_w)], tok_v)
        pltpu.sync_copy(p_hbm, p_v)
        pltpu.sync_copy(o_hbm, o_v)
        pv = p_v[...]
        ov = o_v[...]
        rep = lax.shift_right_logical(lax.iota(jnp.int32, 16), 3)

        @pl.loop(0, nchunk)
        def _(c):
            for v in range(8):
                tvec = c * 16 + v * 2 + rep
                tok16 = plsc.load_gather(tok_v, [tvec])
                idx_v[c, pl.ds(v * 16, 16)] = ov + lax.rem(tok16, pv)

        @pl.loop(0, nchunk // 4)
        def _(h):
            q0 = h * 4
            ha = [pltpu.async_copy(stk_hbm.at[idx_v.at[q0 + j]],
                                   buf_a.at[pl.ds(j * _CHUNK, _CHUNK)],
                                   gasems[j])
                  for j in range(2)]
            for x in ha:
                x.wait()
            ca = pltpu.async_copy(
                buf_a, x_hbm.at[pl.ds(rbase + q0 * _CHUNK, 2 * _CHUNK)], cas)
            hb = [pltpu.async_copy(stk_hbm.at[idx_v.at[q0 + 2 + j]],
                                   buf_b.at[pl.ds(j * _CHUNK, _CHUNK)],
                                   gbsems[j])
                  for j in range(2)]
            for x in hb:
                x.wait()
            cb = pltpu.async_copy(
                buf_b, x_hbm.at[pl.ds(rbase + (q0 + 2) * _CHUNK, 2 * _CHUNK)],
                cbs)
            ca.wait()
            cb.wait()

    return k(tok_slice, stacked, primes16, off16)


def _mm_body(*refs):
    x_ref, w_ref, b_ref, g_ref = refs[:4]
    o_ref = refs[-1]
    bm = x_ref.shape[0] // _K
    y = jnp.dot(x_ref[...].reshape(bm, _K * _D_HASH), w_ref[...],
                preferred_element_type=jnp.float32,
                precision=lax.Precision.DEFAULT)
    y = y + b_ref[...]
    ms = jnp.mean(y * y, axis=-1, keepdims=True)
    o_ref[...] = y * lax.rsqrt(ms + _EPS) * g_ref[...]


def _tc_fuse_slice(xcat_s, fusion_w, fusion_b, rms_w, y_prev, blk_off):
    ntok_s = xcat_s.shape[0] // _K
    grid = (ntok_s // _BM,)
    in_specs = [
        pl.BlockSpec((_BM * _K, _D_HASH), lambda i: (i, 0)),
        pl.BlockSpec((_K * _D_HASH, _D_MODEL), lambda i: (0, 0)),
        pl.BlockSpec((1, _D_MODEL), lambda i: (0, 0)),
        pl.BlockSpec((1, _D_MODEL), lambda i: (0, 0)),
    ]
    args = [xcat_s, fusion_w, fusion_b, rms_w]
    aliases = {}
    if y_prev is not None:
        in_specs.append(pl.BlockSpec(memory_space=pl.ANY))
        args.append(y_prev)
        aliases = {4: 0}
    return pl.pallas_call(
        _mm_body,
        grid=grid,
        in_specs=in_specs,
        out_specs=pl.BlockSpec((_BM, _D_MODEL),
                               lambda i, _o=blk_off: (_o + i, 0)),
        out_shape=jax.ShapeDtypeStruct((_NTOK, _D_MODEL), jnp.float32),
        input_output_aliases=aliases,
    )(*args)


def kernel(token_ids, table_0, table_1, table_2, table_3, table_4, table_5,
           table_6, table_7, fusion_w, fusion_b, rms_w):
    tables = [table_0, table_1, table_2, table_3, table_4, table_5, table_6,
              table_7]
    stacked = jnp.concatenate(tables, axis=0)
    tok_flat = token_ids.reshape(_NTOK)
    primes16 = jnp.asarray(_PRIMES * 2, dtype=jnp.int32)
    off16 = jnp.asarray(_OFFSETS * 2, dtype=jnp.int32)
    b2 = fusion_b.reshape(1, _D_MODEL)
    g2 = rms_w.reshape(1, _D_MODEL)

    ntok_s = _NTOK // _NSLICE
    xs = [_sc_gather(lax.slice(tok_flat, (s * ntok_s,), ((s + 1) * ntok_s,)),
                     stacked, primes16, off16)
          for s in range(_NSLICE)]
    y = None
    for s in range(_NSLICE):
        y = _tc_fuse_slice(xs[s], fusion_w, b2, g2, y,
                           s * ntok_s // _BM)
    return y.reshape(token_ids.shape[0], token_ids.shape[1], _D_MODEL)

# --- scband reference (transcript-rebuilt; emitter-appended) ---
"""Pipeline reference for scband-multi-hash-embedding-26293789786878 (READ-ONLY COPY).

The authoritative reference and input builder live on the scoring server;
editing this copy changes nothing except your own understanding.
"""

import jax, jax.numpy as jnp
import numpy as np

PRIMES = [251, 509, 1021, 2039, 4093, 8191, 997, 1999]
K = 8
D_HASH = 128
D_MODEL = 1024
EPS = 1e-6


def setup_inputs(seed: int = 0) -> dict:
    key = jax.random.key(seed)
    ks = jax.random.split(key, K + 4)
    inp = {}
    inp['token_ids'] = jax.random.randint(ks[0], (4, 4096), 0, 100000, dtype=jnp.int32)
    for k in range(K):
        inp['table_%d' % k] = jax.random.normal(ks[1 + k], (PRIMES[k], D_HASH), dtype=jnp.float32) * 0.02
    # nn.Linear(K*d_hash, d_model): store as [in, out] so forward is x @ W + b
    inp['fusion_w'] = jax.random.normal(ks[K + 1], (K * D_HASH, D_MODEL), dtype=jnp.float32) * (1.0 / np.sqrt(K * D_HASH))
    inp['fusion_b'] = jax.random.normal(ks[K + 2], (D_MODEL,), dtype=jnp.float32) * 0.01
    inp['rms_w'] = jnp.ones((D_MODEL,), dtype=jnp.float32)
    return inp


def reference(token_ids, table_0, table_1, table_2, table_3, table_4, table_5, table_6, table_7, fusion_w, fusion_b, rms_w):
    tables = [table_0, table_1, table_2, table_3, table_4, table_5, table_6, table_7]
    parts = []
    for k in range(K):
        bucket = token_ids % PRIMES[k]          # [B, T]
        # one_hot(bucket) @ table  ==  gather rows of table at bucket (same math & grads)
        part = jnp.take(tables[k], bucket, axis=0)  # [B, T, d_hash]
        parts.append(part)
    x = jnp.concatenate(parts, axis=-1)          # [B, T, K*d_hash]
    y = x @ fusion_w + fusion_b                  # [B, T, d_model]
    rms = jnp.sqrt(jnp.mean(y * y, axis=-1, keepdims=True) + EPS)
    return (y / rms) * rms_w

if __name__ == "__main__":
    import jax
    _d = setup_inputs()
    print(jax.jit(kernel)(*tuple(_d.values())))

</pallas_src>

<mosaic_0001>
#map = affine_map<(d0, d1) -> (0)>
#map1 = affine_map<(d0, d1) -> (0, 0)>
module attributes {stable_mosaic.version = 14 : i64} {
  func.func @k(%arg0: i32, %arg1: i32, %arg2: memref<16384xi32, #tpu.memory_space<hbm>>, %arg3: memref<19100x128xf32, #tpu.memory_space<hbm>>, %arg4: memref<16xi32, #tpu.memory_space<hbm>>, %arg5: memref<16xi32, #tpu.memory_space<hbm>>, %arg6: memref<131072x128xf32, #tpu.memory_space<hbm>>, %arg7: memref<512xi32, #tpu.memory_space<vmem>>, %arg8: memref<16xi32, #tpu.memory_space<vmem>>, %arg9: memref<16xi32, #tpu.memory_space<vmem>>, %arg10: memref<32x128xi32, #tpu.memory_space<vmem>>, %arg11: memref<256x128xf32, #tpu.memory_space<vmem>>, %arg12: memref<256x128xf32, #tpu.memory_space<vmem>>, %arg13: memref<!tpu.dma_semaphore, #tpu.memory_space<semaphore_mem>>, %arg14: memref<!tpu.dma_semaphore, #tpu.memory_space<semaphore_mem>>, %arg15: memref<!tpu.dma_semaphore, #tpu.memory_space<semaphore_mem>>, %arg16: memref<!tpu.dma_semaphore, #tpu.memory_space<semaphore_mem>>, %arg17: memref<!tpu.dma_semaphore, #tpu.memory_space<semaphore_mem>>, %arg18: memref<!tpu.dma_semaphore, #tpu.memory_space<semaphore_mem>>) attributes {dimension_semantics = [#tpu.dimension_semantics<core_parallel>, #tpu.dimension_semantics<subcore_parallel>], iteration_bounds = array<i64: 2, 16>, scalar_prefetch = 0 : i64, scratch_operands = 12 : i64, tpu.core_type = #tpu.core_type<sc_vector_subcore>, window_params = [{transform_indices = #map}, {transform_indices = #map1}, {transform_indices = #map}, {transform_indices = #map}, {transform_indices = #map1}]} {
    %mul3A = arith.constant 2 : i32
    %mul3A_0 = arith.muli %arg1, %mul3A : i32
    %add3A = arith.addi %mul3A_0, %arg0 : i32
    %mul3A_1 = arith.constant 512 : i32
    %mul3A_2 = arith.muli %add3A, %mul3A_1 : i32
    %mul3A_3 = arith.constant 4096 : i32
    %mul3A_4 = arith.muli %add3A, %mul3A_3 : i32
    "tpu.region"() ({
      %run_scoped3A = tpu.sem_alloc : memref<!tpu.dma_semaphore, #tpu.memory_space<semaphore_mem>>
      %dma_start3A = tpu.memref_slice %arg2[%mul3A_2] : memref<16384xi32, #tpu.memory_space<hbm>> -> memref<512xi32, #tpu.memory_space<hbm>>
      %dma_start3A_19 = tpu.memref_slice %arg2[%mul3A_2] : memref<16384xi32, #tpu.memory_space<hbm>> -> memref<512xi32, #tpu.memory_space<hbm>>
      tpu.enqueue_dma source(%dma_start3A_19 : memref<512xi32, #tpu.memory_space<hbm>>) target(%arg7 : memref<512xi32, #tpu.memory_space<vmem>>) target_semaphore(%run_scoped3A : memref<!tpu.dma_semaphore, #tpu.memory_space<semaphore_mem>>)
      %dma_wait3A = tpu.memref_slice %arg2[%mul3A_2] : memref<16384xi32, #tpu.memory_space<hbm>> -> memref<512xi32, #tpu.memory_space<hbm>>
      %dma_wait3A_20 = tpu.memref_slice %arg2[%mul3A_2] : memref<16384xi32, #tpu.memory_space<hbm>> -> memref<512xi32, #tpu.memory_space<hbm>>
      tpu.wait_dma2 semaphore(%run_scoped3A : memref<!tpu.dma_semaphore, #tpu.memory_space<semaphore_mem>>) src(%dma_wait3A_20 : memref<512xi32, #tpu.memory_space<hbm>>) dst(%arg7 : memref<512xi32, #tpu.memory_space<vmem>>)
      tpu.yield
    }) : () -> ()
    "tpu.region"() ({
      %run_scoped3A = tpu.sem_alloc : memref<!tpu.dma_semaphore, #tpu.memory_space<semaphore_mem>>
      tpu.enqueue_dma source(%arg4 : memref<16xi32, #tpu.memory_space<hbm>>) target(%arg8 : memref<16xi32, #tpu.memory_space<vmem>>) target_semaphore(%run_scoped3A : memref<!tpu.dma_semaphore, #tpu.memory_space<semaphore_mem>>)
      tpu.wait_dma2 semaphore(%run_scoped3A : memref<!tpu.dma_semaphore, #tpu.memory_space<semaphore_mem>>) src(%arg4 : memref<16xi32, #tpu.memory_space<hbm>>) dst(%arg8 : memref<16xi32, #tpu.memory_space<vmem>>)
      tpu.yield
    }) : () -> ()
    "tpu.region"() ({
      %run_scoped3A = tpu.sem_alloc : memref<!tpu.dma_semaphore, #tpu.memory_space<semaphore_mem>>
      tpu.enqueue_dma source(%arg5 : memref<16xi32, #tpu.memory_space<hbm>>) target(%arg9 : memref<16xi32, #tpu.memory_space<vmem>>) target_semaphore(%run_scoped3A : memref<!tpu.dma_semaphore, #tpu.memory_space<semaphore_mem>>)
      tpu.wait_dma2 semaphore(%run_scoped3A : memref<!tpu.dma_semaphore, #tpu.memory_space<semaphore_mem>>) src(%arg5 : memref<16xi32, #tpu.memory_space<hbm>>) dst(%arg9 : memref<16xi32, #tpu.memory_space<vmem>>)
      tpu.yield
    }) : () -> ()
    %get3A = arith.constant 0 : index
    %get3A_5 = tpu.vector_load %arg8[%get3A] {strides = array<i32>} : memref<16xi32, #tpu.memory_space<vmem>>, vector<16xi32>,
    %get3A_6 = arith.constant 0 : index
    %get3A_7 = tpu.vector_load %arg9[%get3A_6] {strides = array<i32>} : memref<16xi32, #tpu.memory_space<vmem>>, vector<16xi32>,
    %iota3A = tpu.iota {dimensions = array<i32: 0>} : vector<16xi32>
    %shift_right_logical3A = arith.constant 3 : i32
    %shift_right_logical3A_8 = vector.broadcast %shift_right_logical3A : i32 to vector<16xi32>
    %shift_right_logical3A_9 = arith.shrui %iota3A, %shift_right_logical3A_8 : vector<16xi32>
    %scan3A = arith.constant 0 : i32
    %scan3A_10 = arith.constant 32 : i32
    %scan3A_11 = arith.addi %scan3A, %scan3A_10 : i32
    %scan3A_12 = arith.constant 1 : i32
    scf.for %scan3A_19 = %scan3A to %scan3A_11 step %scan3A_12  : i32 {
      %mul3A_20 = arith.constant 1 : i32
      %mul3A_21 = arith.muli %scan3A_19, %mul3A_20 : i32
      %add3A_22 = arith.constant 0 : i32
      %add3A_23 = arith.addi %add3A_22, %mul3A_21 : i32
      %mul3A_24 = arith.constant 16 : i32
      %mul3A_25 = arith.muli %add3A_23, %mul3A_24 : i32
      %add3A_26 = arith.constant 0 : i32
      %add3A_27 = arith.addi %mul3A_25, %add3A_26 : i32
      %add3A_28 = vector.broadcast %add3A_27 : i32 to vector<16xi32>
      %add3A_29 = arith.addi %add3A_28, %shift_right_logical3A_9 : vector<16xi32>
      %gather3A = tpu.vector_load_idx %arg7[%add3A_29] : memref<512xi32, #tpu.memory_space<vmem>>[vector<16xi32>], vector<16xi32>,
      %rem3A = arith.remsi %gather3A, %get3A_5 : vector<16xi32>
      %add3A_30 = arith.addi %get3A_7, %rem3A : vector<16xi32>
      %swap3A = arith.index_cast %add3A_23 : i32 to index
      %swap3A_31 = arith.constant 0 : index
      %swap3A_32 = tpu.vector_load %arg10[%swap3A, %swap3A_31] {strides = array<i32>} : memref<32x128xi32, #tpu.memory_space<vmem>>, vector<16xi32>,
      tpu.vector_store %arg10[%swap3A, %swap3A_31], %add3A_30 {strides = array<i32>} : memref<32x128xi32, #tpu.memory_space<vmem>>, vector<16xi32>,
      %mul3A_33 = arith.constant 16 : i32
      %mul3A_34 = arith.muli %add3A_23, %mul3A_33 : i32
      %add3A_35 = arith.constant 2 : i32
      %add3A_36 = arith.addi %mul3A_34, %add3A_35 : i32
      %add3A_37 = vector.broadcast %add3A_36 : i32 to vector<16xi32>
      %add3A_38 = arith.addi %add3A_37, %shift_right_logical3A_9 : vector<16xi32>
      %gather3A_39 = tpu.vector_load_idx %arg7[%add3A_38] : memref<512xi32, #tpu.memory_space<vmem>>[vector<16xi32>], vector<16xi32>,
      %rem3A_40 = arith.remsi %gather3A_39, %get3A_5 : vector<16xi32>
      %add3A_41 = arith.addi %get3A_7, %rem3A_40 : vector<16xi32>
      %swap3A_42 = arith.index_cast %add3A_23 : i32 to index
      %swap3A_43 = arith.constant 16 : index
      %swap3A_44 = tpu.vector_load %arg10[%swap3A_42, %swap3A_43] {strides = array<i32>} : memref<32x128xi32, #tpu.memory_space<vmem>>, vector<16xi32>,
      tpu.vector_store %arg10[%swap3A_42, %swap3A_43], %add3A_41 {strides = array<i32>} : memref<32x128xi32, #tpu.memory_space<vmem>>, vector<16xi32>,
      %mul3A_45 = arith.constant 16 : i32
      %mul3A_46 = arith.muli %add3A_23, %mul3A_45 : i32
      %add3A_47 = arith.constant 4 : i32
      %add3A_48 = arith.addi %mul3A_46, %add3A_47 : i32
      %add3A_49 = vector.broadcast %add3A_48 : i32 to vector<16xi32>
      %add3A_50 = arith.addi %add3A_49, %shift_right_logical3A_9 : vector<16xi32>
      %gather3A_51 = tpu.vector_load_idx %arg7[%add3A_50] : memref<512xi32, #tpu.memory_space<vmem>>[vector<16xi32>], vector<16xi32>,
      %rem3A_52 = arith.remsi %gather3A_51, %get3A_5 : vector<16xi32>
      %add3A_53 = arith.addi %get3A_7, %rem3A_52 : vector<16xi32>
      %swap3A_54 = arith.index_cast %add3A_23 : i32 to index
      %swap3A_55 = arith.constant 32 : index
      %swap3A_56 = tpu.vector_load %arg10[%swap3A_54, %swap3A_55] {strides = array<i32>} : memref<32x128xi32, #tpu.memory_space<vmem>>, vector<16xi32>,
      tpu.vector_store %arg10[%swap3A_54, %swap3A_55], %add3A_53 {strides = array<i32>} : memref<32x128xi32, #tpu.memory_space<vmem>>, vector<16xi32>,
      %mul3A_57 = arith.constant 16 : i32
      %mul3A_58 = arith.muli %add3A_23, %mul3A_57 : i32
      %add3A_59 = arith.constant 6 : i32
      %add3A_60 = arith.addi %mul3A_58, %add3A_59 : i32
      %add3A_61 = vector.broadcast %add3A_60 : i32 to vector<16xi32>
      %add3A_62 = arith.addi %add3A_61, %shift_right_logical3A_9 : vector<16xi32>
      %gather3A_63 = tpu.vector_load_idx %arg7[%add3A_62] : memref<512xi32, #tpu.memory_space<vmem>>[vector<16xi32>], vector<16xi32>,
      %rem3A_64 = arith.remsi %gather3A_63, %get3A_5 : vector<16xi32>
      %add3A_65 = arith.addi %get3A_7, %rem3A_64 : vector<16xi32>
      %swap3A_66 = arith.index_cast %add3A_23 : i32 to index
      %swap3A_67 = arith.constant 48 : index
      %swap3A_68 = tpu.vector_load %arg10[%swap3A_66, %swap3A_67] {strides = array<i32>} : memref<32x128xi32, #tpu.memory_space<vmem>>, vector<16xi32>,
      tpu.vector_store %arg10[%swap3A_66, %swap3A_67], %add3A_65 {strides = array<i32>} : memref<32x128xi32, #tpu.memory_space<vmem>>, vector<16xi32>,
      %mul3A_69 = arith.constant 16 : i32
      %mul3A_70 = arith.muli %add3A_23, %mul3A_69 : i32
      %add3A_71 = arith.constant 8 : i32
      %add3A_72 = arith.addi %mul3A_70, %add3A_71 : i32
      %add3A_73 = vector.broadcast %add3A_72 : i32 to vector<16xi32>
      %add3A_74 = arith.addi %add3A_73, %shift_right_logical3A_9 : vector<16xi32>
      %gather3A_75 = tpu.vector_load_idx %arg7[%add3A_74] : memref<512xi32, #tpu.memory_space<vmem>>[vector<16xi32>], vector<16xi32>,
      %rem3A_76 = arith.remsi %gather3A_75, %get3A_5 : vector<16xi32>
      %add3A_77 = arith.addi %get3A_7, %rem3A_76 : vector<16xi32>
      %swap3A_78 = arith.index_cast %add3A_23 : i32 to index
      %swap3A_79 = arith.constant 64 : index
      %swap3A_80 = tpu.vector_load %arg10[%swap3A_78, %swap3A_79] {strides = array<i32>} : memref<32x128xi32, #tpu.memory_space<vmem>>, vector<16xi32>,
      tpu.vector_store %arg10[%swap3A_78, %swap3A_79], %add3A_77 {strides = array<i32>} : memref<32x128xi32, #tpu.memory_space<vmem>>, vector<16xi32>,
      %mul3A_81 = arith.constant 16 : i32
      %mul3A_82 = arith.muli %add3A_23, %mul3A_81 : i32
      %add3A_83 = arith.constant 10 : i32
      %add3A_84 = arith.addi %mul3A_82, %add3A_83 : i32
      %add3A_85 = vector.broadcast %add3A_84 : i32 to vector<16xi32>
      %add3A_86 = arith.addi %add3A_85, %shift_right_logical3A_9 : vector<16xi32>
      %gather3A_87 = tpu.vector_load_idx %arg7[%add3A_86] : memref<512xi32, #tpu.memory_space<vmem>>[vector<16xi32>], vector<16xi32>,
      %rem3A_88 = arith.remsi %gather3A_87, %get3A_5 : vector<16xi32>
      %add3A_89 = arith.addi %get3A_7, %rem3A_88 : vector<16xi32>
      %swap3A_90 = arith.index_cast %add3A_23 : i32 to index
      %swap3A_91 = arith.constant 80 : index
      %swap3A_92 = tpu.vector_load %arg10[%swap3A_90, %swap3A_91] {strides = array<i32>} : memref<32x128xi32, #tpu.memory_space<vmem>>, vector<16xi32>,
      tpu.vector_store %arg10[%swap3A_90, %swap3A_91], %add3A_89 {strides = array<i32>} : memref<32x128xi32, #tpu.memory_space<vmem>>, vector<16xi32>,
      %mul3A_93 = arith.constant 16 : i32
      %mul3A_94 = arith.muli %add3A_23, %mul3A_93 : i32
      %add3A_95 = arith.constant 12 : i32
      %add3A_96 = arith.addi %mul3A_94, %add3A_95 : i32
      %add3A_97 = vector.broadcast %add3A_96 : i32 to vector<16xi32>
      %add3A_98 = arith.addi %add3A_97, %shift_right_logical3A_9 : vector<16xi32>
      %gather3A_99 = tpu.vector_load_idx %arg7[%add3A_98] : memref<512xi32, #tpu.memory_space<vmem>>[vector<16xi32>], vector<16xi32>,
      %rem3A_100 = arith.remsi %gather3A_99, %get3A_5 : vector<16xi32>
      %add3A_101 = arith.addi %get3A_7, %rem3A_100 : vector<16xi32>
      %swap3A_102 = arith.index_cast %add3A_23 : i32 to index
      %swap3A_103 = arith.constant 96 : index
      %swap3A_104 = tpu.vector_load %arg10[%swap3A_102, %swap3A_103] {strides = array<i32>} : memref<32x128xi32, #tpu.memory_space<vmem>>, vector<16xi32>,
      tpu.vector_store %arg10[%swap3A_102, %swap3A_103], %add3A_101 {strides = array<i32>} : memref<32x128xi32, #tpu.memory_space<vmem>>, vector<16xi32>,
      %mul3A_105 = arith.constant 16 : i32
      %mul3A_106 = arith.muli %add3A_23, %mul3A_105 : i32
      %add3A_107 = arith.constant 14 : i32
      %add3A_108 = arith.addi %mul3A_106, %add3A_107 : i32
      %add3A_109 = vector.broadcast %add3A_108 : i32 to vector<16xi32>
      %add3A_110 = arith.addi %add3A_109, %shift_right_logical3A_9 : vector<16xi32>
      %gather3A_111 = tpu.vector_load_idx %arg7[%add3A_110] : memref<512xi32, #tpu.memory_space<vmem>>[vector<16xi32>], vector<16xi32>,
      %rem3A_112 = arith.remsi %gather3A_111, %get3A_5 : vector<16xi32>
      %add3A_113 = arith.addi %get3A_7, %rem3A_112 : vector<16xi32>
      %swap3A_114 = arith.index_cast %add3A_23 : i32 to index
      %swap3A_115 = arith.constant 112 : index
      %swap3A_116 = tpu.vector_load %arg10[%swap3A_114, %swap3A_115] {strides = array<i32>} : memref<32x128xi32, #tpu.memory_space<vmem>>, vector<16xi32>,
      tpu.vector_store %arg10[%swap3A_114, %swap3A_115], %add3A_113 {strides = array<i32>} : memref<32x128xi32, #tpu.memory_space<vmem>>, vector<16xi32>,
    }
    %scan3A_13 = arith.constant 32 : i32
    %scan3A_14 = arith.constant 0 : i32
    %scan3A_15 = arith.constant 8 : i32
    %scan3A_16 = arith.addi %scan3A_14, %scan3A_15 : i32
    %scan3A_17 = arith.constant 1 : i32
    scf.for %scan3A_19 = %scan3A_14 to %scan3A_16 step %scan3A_17  : i32 {
      %mul3A_20 = arith.constant 1 : i32
      %mul3A_21 = arith.muli %scan3A_19, %mul3A_20 : i32
      %add3A_22 = arith.constant 0 : i32
      %add3A_23 = arith.addi %add3A_22, %mul3A_21 : i32
      %mul3A_24 = arith.constant 4 : i32
      %mul3A_25 = arith.muli %add3A_23, %mul3A_24 : i32
      %add3A_26 = arith.constant 0 : i32
      %add3A_27 = arith.addi %mul3A_25, %add3A_26 : i32
      %dma_start3A = arith.constant 0 : i32
      %dma_start3A_28 = arith.constant 0 : i32
      %dma_start3A_29 = tpu.memref_slice %arg11[%dma_start3A, %dma_start3A_28] : memref<256x128xf32, #tpu.memory_space<vmem>> -> memref<128x128xf32, #tpu.memory_space<vmem>>
      %dma_start3A_30 = arith.constant 0 : i32
      %dma_start3A_31 = tpu.memref_slice %arg10[%add3A_27, %dma_start3A_30] : memref<32x128xi32, #tpu.memory_space<vmem>> -> memref<1x128xi32, #tpu.memory_space<vmem>>
      %dma_start3A_32 = tpu.memref_squeeze %dma_start3A_31 : memref<1x128xi32, #tpu.memory_space<vmem>> -> memref<128xi32, #tpu.memory_space<vmem>>
      %dma_start3A_33 = arith.constant 0 : i32
      %dma_start3A_34 = arith.constant 0 : i32
      %dma_start3A_35 = tpu.memref_slice %arg3[%dma_start3A_33, %dma_start3A_34] : memref<19100x128xf32, #tpu.memory_space<hbm>> -> memref<19100x128xf32, #tpu.memory_space<hbm>>
      tpu.enqueue_indirect_dma source(%dma_start3A_35 : memref<19100x128xf32, #tpu.memory_space<hbm>>) target(%dma_start3A_29 : memref<128x128xf32, #tpu.memory_space<vmem>>) offsets(%dma_start3A_32 : memref<128xi32, #tpu.memory_space<vmem>>) semaphore(%arg13 : memref<!tpu.dma_semaphore, #tpu.memory_space<semaphore_mem>>)
      %add3A_36 = arith.constant 1 : i32
      %add3A_37 = arith.addi %mul3A_25, %add3A_36 : i32
      %dma_start3A_38 = arith.constant 128 : i32
      %dma_start3A_39 = arith.constant 0 : i32
      %dma_start3A_40 = tpu.memref_slice %arg11[%dma_start3A_38, %dma_start3A_39] : memref<256x128xf32, #tpu.memory_space<vmem>> -> memref<128x128xf32, #tpu.memory_space<vmem>>
      %dma_start3A_41 = arith.constant 0 : i32
      %dma_start3A_42 = tpu.memref_slice %arg10[%add3A_37, %dma_start3A_41] : memref<32x128xi32, #tpu.memory_space<vmem>> -> memref<1x128xi32, #tpu.memory_space<vmem>>
      %dma_start3A_43 = tpu.memref_squeeze %dma_start3A_42 : memref<1x128xi32, #tpu.memory_space<vmem>> -> memref<128xi32, #tpu.memory_space<vmem>>
      %dma_start3A_44 = arith.constant 0 : i32
      %dma_start3A_45 = arith.constant 0 : i32
      %dma_start3A_46 = tpu.memref_slice %arg3[%dma_start3A_44, %dma_start3A_45] : memref<19100x128xf32, #tpu.memory_space<hbm>> -> memref<19100x128xf32, #tpu.memory_space<hbm>>
      tpu.enqueue_indirect_dma source(%dma_start3A_46 : memref<19100x128xf32, #tpu.memory_space<hbm>>) target(%dma_start3A_40 : memref<128x128xf32, #tpu.memory_space<vmem>>) offsets(%dma_start3A_43 : memref<128xi32, #tpu.memory_space<vmem>>) semaphore(%arg14 : memref<!tpu.dma_semaphore, #tpu.memory_space<semaphore_mem>>)
      %dma_wait3A = arith.constant 0 : i32
      %dma_wait3A_47 = arith.constant 0 : i32
      %dma_wait3A_48 = tpu.memref_slice %arg11[%dma_wait3A, %dma_wait3A_47] : memref<256x128xf32, #tpu.memory_space<vmem>> -> memref<128x128xf32, #tpu.memory_space<vmem>>
      %dma_wait3A_49 = arith.constant 0 : i32
      %dma_wait3A_50 = tpu.memref_slice %arg10[%add3A_27, %dma_wait3A_49] : memref<32x128xi32, #tpu.memory_space<vmem>> -> memref<1x128xi32, #tpu.memory_space<vmem>>
      %dma_wait3A_51 = tpu.memref_squeeze %dma_wait3A_50 : memref<1x128xi32, #tpu.memory_space<vmem>> -> memref<128xi32, #tpu.memory_space<vmem>>
      %dma_wait3A_52 = arith.constant 0 : i32
      %dma_wait3A_53 = arith.constant 0 : i32
      %dma_wait3A_54 = tpu.memref_slice %arg3[%dma_wait3A_52, %dma_wait3A_53] : memref<19100x128xf32, #tpu.memory_space<hbm>> -> memref<19100x128xf32, #tpu.memory_space<hbm>>
      tpu.wait_indirect_dma semaphore(%arg13 : memref<!tpu.dma_semaphore, #tpu.memory_space<semaphore_mem>>) src(%dma_wait3A_54 : memref<19100x128xf32, #tpu.memory_space<hbm>>) dst(%dma_wait3A_48 : memref<128x128xf32, #tpu.memory_space<vmem>>)
      %dma_wait3A_55 = arith.constant 128 : i32
      %dma_wait3A_56 = arith.constant 0 : i32
      %dma_wait3A_57 = tpu.memref_slice %arg11[%dma_wait3A_55, %dma_wait3A_56] : memref<256x128xf32, #tpu.memory_space<vmem>> -> memref<128x128xf32, #tpu.memory_space<vmem>>
      %dma_wait3A_58 = arith.constant 0 : i32
      %dma_wait3A_59 = tpu.memref_slice %arg10[%add3A_37, %dma_wait3A_58] : memref<32x128xi32, #tpu.memory_space<vmem>> -> memref<1x128xi32, #tpu.memory_space<vmem>>
      %dma_wait3A_60 = tpu.memref_squeeze %dma_wait3A_59 : memref<1x128xi32, #tpu.memory_space<vmem>> -> memref<128xi32, #tpu.memory_space<vmem>>
      %dma_wait3A_61 = arith.constant 0 : i32
      %dma_wait3A_62 = arith.constant 0 : i32
      %dma_wait3A_63 = tpu.memref_slice %arg3[%dma_wait3A_61, %dma_wait3A_62] : memref<19100x128xf32, #tpu.memory_space<hbm>> -> memref<19100x128xf32, #tpu.memory_space<hbm>>
      tpu.wait_indirect_dma semaphore(%arg14 : memref<!tpu.dma_semaphore, #tpu.memory_space<semaphore_mem>>) src(%dma_wait3A_63 : memref<19100x128xf32, #tpu.memory_space<hbm>>) dst(%dma_wait3A_57 : memref<128x128xf32, #tpu.memory_space<vmem>>)
      %mul3A_64 = arith.constant 128 : i32
      %mul3A_65 = arith.muli %mul3A_25, %mul3A_64 : i32
      %add3A_66 = arith.addi %mul3A_4, %mul3A_65 : i32
      %dma_start3A_67 = arith.constant 0 : i32
      %dma_start3A_68 = tpu.memref_slice %arg6[%add3A_66, %dma_start3A_67] : memref<131072x128xf32, #tpu.memory_space<hbm>> -> memref<256x128xf32, #tpu.memory_space<hbm>>
      %dma_start3A_69 = arith.constant 0 : i32
      %dma_start3A_70 = tpu.memref_slice %arg6[%add3A_66, %dma_start3A_69] : memref<131072x128xf32, #tpu.memory_space<hbm>> -> memref<256x128xf32, #tpu.memory_space<hbm>>
      tpu.enqueue_dma source(%arg11 : memref<256x128xf32, #tpu.memory_space<vmem>>) target(%dma_start3A_70 : memref<256x128xf32, #tpu.memory_space<hbm>>) target_semaphore(%arg17 : memref<!tpu.dma_semaphore, #tpu.memory_space<semaphore_mem>>)
      %add3A_71 = arith.constant 2 : i32
      %add3A_72 = arith.addi %mul3A_25, %add3A_71 : i32
      %add3A_73 = arith.constant 0 : i32
      %add3A_74 = arith.addi %add3A_72, %add3A_73 : i32
      %dma_start3A_75 = arith.constant 0 : i32
      %dma_start3A_76 = arith.constant 0 : i32
      %dma_start3A_77 = tpu.memref_slice %arg12[%dma_start3A_75, %dma_start3A_76] : memref<256x128xf32, #tpu.memory_space<vmem>> -> memref<128x128xf32, #tpu.memory_space<vmem>>
      %dma_start3A_78 = arith.constant 0 : i32
      %dma_start3A_79 = tpu.memref_slice %arg10[%add3A_74, %dma_start3A_78] : memref<32x128xi32, #tpu.memory_space<vmem>> -> memref<1x128xi32, #tpu.memory_space<vmem>>
      %dma_start3A_80 = tpu.memref_squeeze %dma_start3A_79 : memref<1x128xi32, #tpu.memory_space<vmem>> -> memref<128xi32, #tpu.memory_space<vmem>>
      %dma_start3A_81 = arith.constant 0 : i32
      %dma_start3A_82 = arith.constant 0 : i32
      %dma_start3A_83 = tpu.memref_slice %arg3[%dma_start3A_81, %dma_start3A_82] : memref<19100x128xf32, #tpu.memory_space<hbm>> -> memref<19100x128xf32, #tpu.memory_space<hbm>>
      tpu.enqueue_indirect_dma source(%dma_start3A_83 : memref<19100x128xf32, #tpu.memory_space<hbm>>) target(%dma_start3A_77 : memref<128x128xf32, #tpu.memory_space<vmem>>) offsets(%dma_start3A_80 : memref<128xi32, #tpu.memory_space<vmem>>) semaphore(%arg15 : memref<!tpu.dma_semaphore, #tpu.memory_space<semaphore_mem>>)
      %add3A_84 = arith.constant 2 : i32
      %add3A_85 = arith.addi %mul3A_25, %add3A_84 : i32
      %add3A_86 = arith.constant 1 : i32
      %add3A_87 = arith.addi %add3A_85, %add3A_86 : i32
      %dma_start3A_88 = arith.constant 128 : i32
      %dma_start3A_89 = arith.constant 0 : i32
      %dma_start3A_90 = tpu.memref_slice %arg12[%dma_start3A_88, %dma_start3A_89] : memref<256x128xf32, #tpu.memory_space<vmem>> -> memref<128x128xf32, #tpu.memory_space<vmem>>
      %dma_start3A_91 = arith.constant 0 : i32
      %dma_start3A_92 = tpu.memref_slice %arg10[%add3A_87, %dma_start3A_91] : memref<32x128xi32, #tpu.memory_space<vmem>> -> memref<1x128xi32, #tpu.memory_space<vmem>>
      %dma_start3A_93 = tpu.memref_squeeze %dma_start3A_92 : memref<1x128xi32, #tpu.memory_space<vmem>> -> memref<128xi32, #tpu.memory_space<vmem>>
      %dma_start3A_94 = arith.constant 0 : i32
      %dma_start3A_95 = arith.constant 0 : i32
      %dma_start3A_96 = tpu.memref_slice %arg3[%dma_start3A_94, %dma_start3A_95] : memref<19100x128xf32, #tpu.memory_space<hbm>> -> memref<19100x128xf32, #tpu.memory_space<hbm>>
      tpu.enqueue_indirect_dma source(%dma_start3A_96 : memref<19100x128xf32, #tpu.memory_space<hbm>>) target(%dma_start3A_90 : memref<128x128xf32, #tpu.memory_space<vmem>>) offsets(%dma_start3A_93 : memref<128xi32, #tpu.memory_space<vmem>>) semaphore(%arg16 : memref<!tpu.dma_semaphore, #tpu.memory_space<semaphore_mem>>)
      %dma_wait3A_97 = arith.constant 0 : i32
      %dma_wait3A_98 = arith.constant 0 : i32
      %dma_wait3A_99 = tpu.memref_slice %arg12[%dma_wait3A_97, %dma_wait3A_98] : memref<256x128xf32, #tpu.memory_space<vmem>> -> memref<128x128xf32, #tpu.memory_space<vmem>>
      %dma_wait3A_100 = arith.constant 0 : i32
      %dma_wait3A_101 = tpu.memref_slice %arg10[%add3A_74, %dma_wait3A_100] : memref<32x128xi32, #tpu.memory_space<vmem>> -> memref<1x128xi32, #tpu.memory_space<vmem>>
      %dma_wait3A_102 = tpu.memref_squeeze %dma_wait3A_101 : memref<1x128xi32, #tpu.memory_space<vmem>> -> memref<128xi32, #tpu.memory_space<vmem>>
      %dma_wait3A_103 = arith.constant 0 : i32
      %dma_wait3A_104 = arith.constant 0 : i32
      %dma_wait3A_105 = tpu.memref_slice %arg3[%dma_wait3A_103, %dma_wait3A_104] : memref<19100x128xf32, #tpu.memory_space<hbm>> -> memref<19100x128xf32, #tpu.memory_space<hbm>>
      tpu.wait_indirect_dma semaphore(%arg15 : memref<!tpu.dma_semaphore, #tpu.memory_space<semaphore_mem>>) src(%dma_wait3A_105 : memref<19100x128xf32, #tpu.memory_space<hbm>>) dst(%dma_wait3A_99 : memref<128x128xf32, #tpu.memory_space<vmem>>)
      %dma_wait3A_106 = arith.constant 128 : i32
      %dma_wait3A_107 = arith.constant 0 : i32
      %dma_wait3A_108 = tpu.memref_slice %arg12[%dma_wait3A_106, %dma_wait3A_107] : memref<256x128xf32, #tpu.memory_space<vmem>> -> memref<128x128xf32, #tpu.memory_space<vmem>>
      %dma_wait3A_109 = arith.constant 0 : i32
      %dma_wait3A_110 = tpu.memref_slice %arg10[%add3A_87, %dma_wait3A_109] : memref<32x128xi32, #tpu.memory_space<vmem>> -> memref<1x128xi32, #tpu.memory_space<vmem>>
      %dma_wait3A_111 = tpu.memref_squeeze %dma_wait3A_110 : memref<1x128xi32, #tpu.memory_space<vmem>> -> memref<128xi32, #tpu.memory_space<vmem>>
      %dma_wait3A_112 = arith.constant 0 : i32
      %dma_wait3A_113 = arith.constant 0 : i32
      %dma_wait3A_114 = tpu.memref_slice %arg3[%dma_wait3A_112, %dma_wait3A_113] : memref<19100x128xf32, #tpu.memory_space<hbm>> -> memref<19100x128xf32, #tpu.memory_space<hbm>>
      tpu.wait_indirect_dma semaphore(%arg16 : memref<!tpu.dma_semaphore, #tpu.memory_space<semaphore_mem>>) src(%dma_wait3A_114 : memref<19100x128xf32, #tpu.memory_space<hbm>>) dst(%dma_wait3A_108 : memref<128x128xf32, #tpu.memory_space<vmem>>)
      %add3A_115 = arith.constant 2 : i32
      %add3A_116 = arith.addi %mul3A_25, %add3A_115 : i32
      %mul3A_117 = arith.constant 128 : i32
      %mul3A_118 = arith.muli %add3A_116, %mul3A_117 : i32
      %add3A_119 = arith.addi %mul3A_4, %mul3A_118 : i32
      %dma_start3A_120 = arith.constant 0 : i32
      %dma_start3A_121 = tpu.memref_slice %arg6[%add3A_119, %dma_start3A_120] : memref<131072x128xf32, #tpu.memory_space<hbm>> -> memref<256x128xf32, #tpu.memory_space<hbm>>
      %dma_start3A_122 = arith.constant 0 : i32
      %dma_start3A_123 = tpu.memref_slice %arg6[%add3A_119, %dma_start3A_122] : memref<131072x128xf32, #tpu.memory_space<hbm>> -> memref<256x128xf32, #tpu.memory_space<hbm>>
      tpu.enqueue_dma source(%arg12 : memref<256x128xf32, #tpu.memory_space<vmem>>) target(%dma_start3A_123 : memref<256x128xf32, #tpu.memory_space<hbm>>) target_semaphore(%arg18 : memref<!tpu.dma_semaphore, #tpu.memory_space<semaphore_mem>>)
      %dma_wait3A_124 = arith.constant 0 : i32
      %dma_wait3A_125 = tpu.memref_slice %arg6[%add3A_66, %dma_wait3A_124] : memref<131072x128xf32, #tpu.memory_space<hbm>> -> memref<256x128xf32, #tpu.memory_space<hbm>>
      %dma_wait3A_126 = arith.constant 0 : i32
      %dma_wait3A_127 = tpu.memref_slice %arg6[%add3A_66, %dma_wait3A_126] : memref<131072x128xf32, #tpu.memory_space<hbm>> -> memref<256x128xf32, #tpu.memory_space<hbm>>
      tpu.wait_dma2 semaphore(%arg17 : memref<!tpu.dma_semaphore, #tpu.memory_space<semaphore_mem>>) src(%arg11 : memref<256x128xf32, #tpu.memory_space<vmem>>) dst(%dma_wait3A_127 : memref<256x128xf32, #tpu.memory_space<hbm>>)
      %dma_wait3A_128 = arith.constant 0 : i32
      %dma_wait3A_129 = tpu.memref_slice %arg6[%add3A_119, %dma_wait3A_128] : memref<131072x128xf32, #tpu.memory_space<hbm>> -> memref<256x128xf32, #tpu.memory_space<hbm>>
      %dma_wait3A_130 = arith.constant 0 : i32
      %dma_wait3A_131 = tpu.memref_slice %arg6[%add3A_119, %dma_wait3A_130] : memref<131072x128xf32, #tpu.memory_space<hbm>> -> memref<256x128xf32, #tpu.memory_space<hbm>>
      tpu.wait_dma2 semaphore(%arg18 : memref<!tpu.dma_semaphore, #tpu.memory_space<semaphore_mem>>) src(%arg12 : memref<256x128xf32, #tpu.memory_space<vmem>>) dst(%dma_wait3A_131 : memref<256x128xf32, #tpu.memory_space<hbm>>)
    }
    %scan3A_18 = arith.constant 8 : i32
    return
  }
}

module attributes {stable_mosaic.version = 14 : i64} {
  func.func @_mm_body(%arg0: i32, %arg1: memref<8192x128xf32, #tpu.memory_space<vmem>>, %arg2: memref<1024x1024xf32, #tpu.memory_space<vmem>>, %arg3: memref<1x1024xf32, #tpu.memory_space<vmem>>, %arg4: memref<1x1024xf32, #tpu.memory_space<vmem>>, %arg5: memref<1024x1024xf32, #tpu.memory_space<vmem>>) attributes {dimension_semantics = [#tpu.dimension_semantics<arbitrary>], iteration_bounds = array<i64: 16>, scalar_prefetch = 0 : i64, scratch_operands = 0 : i64, tpu.core_type = #tpu.core_type<tc>, window_params = [{transform_indices = @transform_0, window_bounds = array<i64: 8192, 128>}, {pipeline_mode = #tpu.pipeline_mode<synchronous>, transform_indices = @transform_1, window_bounds = array<i64: 1024, 1024>}, {pipeline_mode = #tpu.pipeline_mode<synchronous>, transform_indices = @transform_2, window_bounds = array<i64: 1, 1024>}, {pipeline_mode = #tpu.pipeline_mode<synchronous>, transform_indices = @transform_3, window_bounds = array<i64: 1, 1024>}, {transform_indices = @transform_4, window_bounds = array<i64: 1024, 1024>}]} {
    %get3A = arith.constant 0 : index
    %get3A_0 = arith.constant 0 : index
    %get3A_1 = vector.load %arg1[%get3A, %get3A_0] : memref<8192x128xf32, #tpu.memory_space<vmem>>, vector<8192x128xf32>
    %reshape3A = vector.shape_cast %get3A_1 : vector<8192x128xf32> to vector<1024x1024xf32>
    %get3A_2 = arith.constant 0 : index
    %get3A_3 = arith.constant 0 : index
    %get3A_4 = vector.load %arg2[%get3A_2, %get3A_3] : memref<1024x1024xf32, #tpu.memory_space<vmem>>, vector<1024x1024xf32>
    %dot_general3A = arith.constant dense<0.000000e+00> : vector<1024x1024xf32>
    %dot_general3A_5 = tpu.matmul %reshape3A, %get3A_4, %dot_general3A {dimension_numbers = #tpu.dot_dimension_numbers<[1], [0], [0], [1], [0, 0, 1, 1], [], []>, transpose_lhs_hint = false} : vector<1024x1024xf32>, vector<1024x1024xf32>, vector<1024x1024xf32> -> vector<1024x1024xf32>
    %get3A_6 = arith.constant 0 : index
    %get3A_7 = arith.constant 0 : index
    %get3A_8 = vector.load %arg3[%get3A_6, %get3A_7] : memref<1x1024xf32, #tpu.memory_space<vmem>>, vector<1x1024xf32>
    %add3A = vector.broadcast %get3A_8 : vector<1x1024xf32> to vector<1024x1024xf32>
    %add3A_9 = arith.addf %dot_general3A_5, %add3A : vector<1024x1024xf32>
    %mul3A = arith.mulf %add3A_9, %add3A_9 : vector<1024x1024xf32>
    %reduce_sum3A = arith.constant dense<0.000000e+00> : vector<1024xf32>
    %reduce_sum3A_10 = vector.multi_reduction <add>, %mul3A, %reduce_sum3A [1] : vector<1024x1024xf32> to vector<1024xf32>
    %broadcast_in_dim3A = vector.shape_cast %reduce_sum3A_10 : vector<1024xf32> to vector<1024x1xf32>
    %div3A = arith.constant 1.024000e+03 : f32
    %div3A_11 = vector.broadcast %div3A : f32 to vector<1024x1xf32>
    %div3A_12 = arith.divf %broadcast_in_dim3A, %div3A_11 : vector<1024x1xf32>
    %add3A_13 = arith.constant 9.99999997E-7 : f32
    %add3A_14 = vector.broadcast %add3A_13 : f32 to vector<1024x1xf32>
    %add3A_15 = arith.addf %div3A_12, %add3A_14 : vector<1024x1xf32>
    %rsqrt3A = math.rsqrt %add3A_15 : vector<1024x1xf32>
    %mul3A_16 = vector.broadcast %rsqrt3A : vector<1024x1xf32> to vector<1024x1024xf32>
    %mul3A_17 = arith.mulf %add3A_9, %mul3A_16 : vector<1024x1024xf32>
    %get3A_18 = arith.constant 0 : index
    %get3A_19 = arith.constant 0 : index
    %get3A_20 = vector.load %arg4[%get3A_18, %get3A_19] : memref<1x1024xf32, #tpu.memory_space<vmem>>, vector<1x1024xf32>
    %mul3A_21 = vector.broadcast %get3A_20 : vector<1x1024xf32> to vector<1024x1024xf32>
    %mul3A_22 = arith.mulf %mul3A_17, %mul3A_21 : vector<1024x1024xf32>
    %swap3A = arith.constant 0 : index
    %swap3A_23 = arith.constant 0 : index
    %swap3A_24 = vector.load %arg5[%swap3A, %swap3A_23] : memref<1024x1024xf32, #tpu.memory_space<vmem>>, vector<1024x1024xf32>
    tpu.vector_store %arg5[%swap3A, %swap3A_23], %mul3A_22 {strides = array<i32>} : memref<1024x1024xf32, #tpu.memory_space<vmem>>, vector<1024x1024xf32>,
    return
  }
  func.func @transform_0(%arg0: i32) -> (i32, i32) {
    %c0_i32 = arith.constant 0 : i32
    %c0_i32_0 = arith.constant 0 : i32
    return %arg0, %c0_i32 : i32, i32
  }
  func.func @transform_1(%arg0: i32) -> (i32, i32) {
    %c0_i32 = arith.constant 0 : i32
    %c0_i32_0 = arith.constant 0 : i32
    %c0_i32_1 = arith.constant 0 : i32
    return %c0_i32, %c0_i32_0 : i32, i32
  }
  func.func @transform_2(%arg0: i32) -> (i32, i32) {
    %c0_i32 = arith.constant 0 : i32
    %c0_i32_0 = arith.constant 0 : i32
    %c0_i32_1 = arith.constant 0 : i32
    return %c0_i32, %c0_i32_0 : i32, i32
  }
  func.func @transform_3(%arg0: i32) -> (i32, i32) {
    %c0_i32 = arith.constant 0 : i32
    %c0_i32_0 = arith.constant 0 : i32
    %c0_i32_1 = arith.constant 0 : i32
    return %c0_i32, %c0_i32_0 : i32, i32
  }
  func.func @transform_4(%arg0: i32) -> (i32, i32) {
    %add3A = arith.constant 0 : i32
    %add3A_0 = arith.addi %add3A, %arg0 : i32
    %c0_i32 = arith.constant 0 : i32
    %c0_i32_1 = arith.constant 0 : i32
    return %add3A_0, %c0_i32 : i32, i32
  }
}

</mosaic_0001>

<sc_bundles>
// kernel: kernel.4.cloned.1.call-start
scs
__scs_entry_jumppad:
0x0: {  	(pc) =	sbr.rel $0x88, $3  }
0x1: {  	(tag) =	ssettag $0x0;
	lr =	simm.s32 $0x1  }
0x2: {  	[smem:$0x3F95] =	sst lr;
	_ =	strace $0xD0000000  }
0x3: {  	_ = 	snop  }
0x4: {  	_ = 	snop  }
0x5: {  	_ = 	snop  }
0x6: {  	_ = 	snop  }
0x7: {  	_ = 	snop  }
__scs_overlays_trampoline_lowered:
0x8: {  	[smem:$0x3FA4] =	sst s0  }
0x9: {  	[smem:$0x3FA5] =	sst s1  }
0xa: {  	[smem:$0x3FA6] =	sst s2  }
0xb: {  	[smem:$0x3FA7] =	sst s3  }
0xc: {  	[smem:$0x3FA8] =	sst s4  }
0xd: {  	[smem:$0x3FA9] =	sst s5  }
0xe: {  	[smem:$0x3FAA] =	sst s6  }
0xf: {  	[smem:$0x3FAB] =	sst s7  }
0x10: {  	[smem:$0x3FAC] =	sst s8  }
0x11: {  	[smem:$0x3FAD] =	sst s9;
	s0 =	simm.s32 @!p0 $0x0  }
0x12: {  	s1 =	sld [smem:$0x3F93];
	s0 =	simm.s32 @p0 $0x1  }
0x13: {  	[smem:$0x3FAE] =	sst s0;
	s0 =	simm.s32 @!p1 $0x0  }
0x14: {  	s2 =	sld [smem:$0x3F92];
	s0 =	simm.s32 @p1 $0x1  }
0x15: {  	[smem:$0x3FAF] =	sst s0;
	s0 =	simm.s32 @!p2 $0x0  }
0x16: {  	s3 =	sld [smem:$0x3FDB];
	s0 =	simm.s32 @p2 $0x1  }
0x17: {  	s4 =	simm.s32 $0x1BF5;
	[smem:$0x3FB1] =	sst s0  }
0x18: {  	s0 =	sld [smem:$0x3F94];
	_ =	swait.ge [sflag:s4], $0x0  }
0x19: {  	s7 =	sld [smem:$0x3F95]  }
0x1a: {  	s8 =	sadd.s32 $0xFFFFE003, lr  }
0x1b: {  	s9 =	sadd.s32 $0xFFFFFEF7, lr;
	s5 =	simm.s32 $0xFFFFFFFF;
	p2 =	slt.u32 s8, $0xFFFFF086  }
0x1c: {  	p1 =	slt.u32 s9, $0xF7A;
	s5 =	simm.s32 @!p2 $0x0  }
0x1d: {  	s5 =	simm.s32 @p1 $0x1;
	p0 =	seq.s32 s7, s2  }
0x1e: {  	s7 =	smul.u32 @!p0 $0xF7A, s2;
	p2 =	seq.s32 @!p0 s5, $0x0  }
0x1f: {  	s9 =	smul.u32 $0xF7A, s1;
	s8 =	simm.s32 @!p0 $0x1BF5;
	p2 =	por !p2, p0  }
0x20: {  	[sflag:s8] =	ssyncset.s32 @!p0 $0xFFFFF086;
	s6 =	sadd.s32 @!p0 s3, s7;
	s7 =	simm.s32 @!p0 $0x108  }
0x21: {  	s3 =	sadd.s32 s3, s9;
	s6 =	sadd.s32 @!p0 $0x88, s6;
	s7 =	simm.s32 @p2 $0x1082  }
0x22: {  	[simem:s7], [sflag:s8] =	dma.local @!p0 [hbm:s6], $0xF7A  }
0x23: {  	s9 =	sor.u32 $0xD0000000, s2;
	s6 =	simm.s32 $0x108;
	_ =	swait.ge @!p0 [sflag:s8], $0x0  }
0x24: {  	s3 =	sadd.s32 $0x88, s3;
	s6 =	simm.s32 @!p1 $0x1082;
	[sflag:s4] =	ssyncset.s32 $0xFFFFF086  }
0x25: {  	[simem:s6], [sflag:s4] =	dma.local [hbm:s3], $0xF7A  }
0x26: {  	[smem:$0x3F95] =	sst s1;
	(tag) =	ssettag s2;
	_ =	strace s9  }
0x27: {  	s1 =	sld [smem:$0x3FA5]  }
0x28: {  	s2 =	sld [smem:$0x3FA6]  }
0x29: {  	s4 =	sld [smem:$0x3FA8]  }
0x2a: {  	p0 =	seq.s32 s5, $0x0;
	s5 =	sld [smem:$0x3FA9]  }
0x2b: {  	s6 =	sld [smem:$0x3FAA]  }
0x2c: {  	s7 =	sld [smem:$0x3FAB]  }
0x2d: {  	s3 =	simm.s32 $0x108;
	s8 =	sld [smem:$0x3FAC]  }
0x2e: {  	s3 =	simm.s32 @!p0 $0x1082;
	s9 =	sld [smem:$0x3FAD]  }
0x2f: {  	lr =	sadd.s32 s0, s3;
	s0 =	sld [smem:$0x3FA4]  }
0x30: {  	s3 =	sld [smem:$0x3FA7]  }
0x31: {  	[smem:$0x3FB0] =	sst s10  }
0x32: {  	s10 =	sld [smem:$0x3FAE];
	_ =	sdelay $0x3  }
0x33: {  	p0 =	seq.s32 s10, $0x1;
	s10 =	sld [smem:$0x3FB0];
	_ =	sdelay $0x3  }
0x34: {  	[smem:$0x3FB0] =	sst s10  }
0x35: {  	s10 =	sld [smem:$0x3FAF];
	_ =	sdelay $0x3  }
0x36: {  	p1 =	seq.s32 s10, $0x1;
	s10 =	sld [smem:$0x3FB0];
	_ =	sdelay $0x3  }
0x37: {  	[smem:$0x3FB0] =	sst s10  }
0x38: {  	s10 =	sld [smem:$0x3FB1]  }
0x39: {  	_ = 	snop;
	(pc) =	sbr.ind lr, $3  }
0x3a: {  	_ = 	snop  }
0x3b: {  	_ = 	snop  }
0x3c: {  	p2 =	seq.s32 s10, $0x1;
	s10 =	sld [smem:$0x3FB0]  }
0x3d: {  	_ =	shalt  }
0x3e: {  	_ =	shalt  }
0x3f: {  	_ =	shalt  }
0x40: {  	_ =	shalt  }
0x41: {  	_ =	shalt  }
0x42: {  	_ =	shalt  }
0x43: {  	_ =	shalt  }
0x44: {  	_ =	shalt  }
0x45: {  	_ =	shalt  }
0x46: {  	_ =	shalt  }
0x47: {  	_ =	shalt  }
0x48: {  	_ =	shalt  }
0x49: {  	_ =	shalt  }
0x4a: {  	_ =	shalt  }
0x4b: {  	_ =	shalt  }
0x4c: {  	_ =	shalt  }
0x4d: {  	_ =	shalt  }
0x4e: {  	_ =	shalt  }
0x4f: {  	_ =	shalt  }
0x50: {  	_ =	shalt  }
0x51: {  	_ =	shalt  }
0x52: {  	_ =	shalt  }
0x53: {  	_ =	shalt  }
0x54: {  	_ =	shalt  }
0x55: {  	_ =	shalt  }
0x56: {  	_ =	shalt  }
0x57: {  	_ =	shalt  }
0x58: {  	_ =	shalt  }
0x59: {  	_ =	shalt  }
0x5a: {  	_ =	shalt  }
0x5b: {  	_ =	shalt  }
0x5c: {  	_ =	shalt  }
0x5d: {  	_ =	shalt  }
0x5e: {  	_ =	shalt  }
0x5f: {  	_ =	shalt  }
0x60: {  	_ =	shalt  }
0x61: {  	_ =	shalt  }
0x62: {  	_ =	shalt  }
0x63: {  	_ =	shalt  }
0x64: {  	_ =	shalt  }
0x65: {  	_ =	shalt  }
0x66: {  	_ =	shalt  }
0x67: {  	_ =	shalt  }
0x68: {  	_ =	shalt  }
0x69: {  	_ =	shalt  }
0x6a: {  	_ =	shalt  }
0x6b: {  	_ =	shalt  }
0x6c: {  	_ =	shalt  }
0x6d: {  	_ =	shalt  }
0x6e: {  	_ =	shalt  }
0x6f: {  	_ =	shalt  }
0x70: {  	_ =	shalt  }
0x71: {  	_ =	shalt  }
0x72: {  	_ =	shalt  }
0x73: {  	_ =	shalt  }
0x74: {  	_ =	shalt  }
0x75: {  	_ =	shalt  }
0x76: {  	_ =	shalt  }
0x77: {  	_ =	shalt  }
0x78: {  	_ =	shalt  }
0x79: {  	_ =	shalt  }
0x7a: {  	_ =	shalt  }
0x7b: {  	_ =	shalt  }
0x7c: {  	_ =	shalt  }
0x7d: {  	_ =	shalt  }
0x7e: {  	_ =	shalt  }
0x7f: {  	_ =	shalt  }
0x80: {  	_ =	shalt  }
0x81: {  	_ =	shalt  }
0x82: {  	_ =	shalt  }
0x83: {  	_ =	shalt  }
0x84: {  	_ =	shalt  }
0x85: {  	_ =	shalt  }
0x86: {  	_ =	shalt  }
0x87: {  	_ =	shalt  }
.Lfunc_end0:
.L_simem_size_0:
called_computation_lowered:
.L_overlay_start_0:
0x88: {  	s2 =	sld [smem:$0x3FD9]  }
0x89: {  	s3 =	sld [smem:$0x3FFE];
	_ =	sdelay $0x1  }
0x8a: {  	s1 =	srdreg.scid  }
0x8b: {  	s0 =	sand.u32 $0x1, s1  }
0x8c: {  	s17 =	sshll.u32 s0, $0xA;
	s2 =	sadd.s32 s3, s2  }
0x8d: {  	s2 =	sadd.s32 s2, s17  }
0x8e: {  	[smem:$0x3FBC] =	sst s2  }
0x8f: {  	_ = 	snop  }
0x90: {  	s2 =	sld [smem:$0x3FD0];
	(tm) =	ssettm $0x1  }
0x91: {  	s18 =	sld [smem:$0x3FFB];
	_ =	sdelay $0x3  }
0x92: {  	_ =	strace s18  }
0x93: {  	s3 =	sld [smem:$0x3FFC];
	_ =	sdelay $0x3  }
0x94: {  	_ =	strace s3  }
0x95: {  	s3 =	sld [smem:$0x3FFD];
	_ =	sdelay $0x3  }
0x96: {  	_ =	strace s3  }
0x97: {  	_ =	strace $0x8FFFFFFF  }
0x98: {  	s19 =	sld [smem:$0x3FDB];
	_ =	sdelay $0x1  }
0x99: {  	s4 =	simm.s32 $_scs_section_size  }
0x9a: {  	s5 =	simm.s32 $_size__tile_overlayer_lowered;
	s6 =	simm.s32 $_tile_overlayer_lowered  }
0x9b: {  	s22 =	simm.s32 $0x1BFF;
	s21 =	sshll.u32 s6, $0x1;
	s3 =	sadd.s32 s4, s19  }
0x9c: {  	s7 =	simm.s32 $0x0;
	s20 =	sshll.u32 s5, $0x1;
	s5 =	sadd.s32 s21, s3  }
0x9d: {  	[timem:s7], [sflag:s22] =	dma.local [hbm:s5], s20  }
0x9e: {  	_ =	swait.ge [sflag:s22], s20  }
0x9f: {  	s4 =	ssub.s32 $0x0, s20;
	[sflag:s22] =	ssyncset.done $0x0  }
0xa0: {  	[sflag:s22] =	ssyncadd.s32 s4;
	_ =	sdelay $0x1  }
0xa1: {  	s23 =	simm.s32 $0x1B8B  }
0xa2: {  	_ =	swait.ge [sflag:s23], $0x1  }
0xa3: {  	[sflag:s23] =	ssyncset.done $0x0  }
0xa4: {  	s25 =	simm.s32 $0x1B8E;
	s24 =	sld [smem:$0x3FFE];
	[sflag:s23] =	ssyncadd.s32 $0xFFFFFFFF  }
0xa5: {  	s26 =	simm.s32 $execute0_lowered;
	[smem:$0x3FD2] =	sst s25  }
0xa6: {  	s5 =	sshll.u32 s26, $0x1;
	_ =	strace $0x80000046;
	[dreg:$0x1] =	wrdreg $0xFFFFFFFF  }
0xa7: {  	s28 =	simm.s32 $_size_execute0_lowered;
	s3 =	sadd.s32 s3, s5;
	[dreg:$0x0] =	wrdreg $0x0  }
0xa8: {  	s5 =	sshll.u32 s28, $0x1;
	[dreg:$0x2] =	wrdreg s3  }
0xa9: {  	[dreg:$0x3] =	wrdreg s5  }
0xaa: {  	[dreg:$0x4] =	wrdreg $0xC0  }
0xab: {  	_ =	task [dreg:s7], $0x5FFFF  }
0xac: {  	[dreg:$0x1] =	wrdreg $0xFFFFFFFF  }
0xad: {  	[dreg:$0x0] =	wrdreg $0x60  }
0xae: {  	[dreg:$0x2] =	wrdreg s24  }
0xaf: {  	[dreg:$0x3] =	wrdreg s2  }
0xb0: {  	[dreg:$0x4] =	wrdreg $0x9  }
0xb1: {  	_ =	task.clear_ibuf [dreg:s7], $0x5FFFF;
	_ =	strace $0x90000046  }
0xb2: {  	s29 =	simm.s32 $0x9;
	_ =	strace $0x80000048  }
0xb3: {  	_ =	swait.ge [sflag:s29], $0x1  }
0xb4: {  	[sflag:s29] =	ssyncadd.s32 $0xFFFFFFFF  }
0xb5: {  	_ =	strace $0x90000048  }
0xb6: {  	_ =	sfence  }
0xb7: {  	s30 =	sld [smem:$0x0];
	_ =	sdelay $0x2  }
0xb8: {  	s31 =	sshll.u32 s1, $0xD;
	s1 =	sshrl.u32 s1, $0x2  }
0xb9: {  	s3 =	sand.u32 $0x4000, s31;
	s1 =	sadd.s32 s1, s30  }
0xba: {  	s0 =	sor.u32 s3, s0;
	s1 =	sshll.u32 s1, $0x11  }
0xbb: {  	s0 =	sor.u32 s1, s0  }
0xbc: {  	s0 =	sadd.s32 $0x8F2B, s0  }
0xbd: {  	[sflag:s0] =	ssyncadd.remote.s32 $0x1  }
0xbe: {  	_ =	sfence.sel $0xFFFF  }
0xbf: {  	[dreg:$0x0] =	wrdreg $0xFFFFFFFF;
	(pc) =	sbr.abs _section_cstart, $3  }
0xc0: {  	[dreg:$0x1] =	wrdreg $0xFFFFFFFF  }
0xc1: {  	_ =	task.clear_ibuf [dreg:s7], $0x2FFFF;
	_ =	strace $0x9FFFFFFF  }
0xc2: {  	(tm) =	ssettm $0x7FFFFFFF  }
0xc3: {  	_ =	shalt  }
tec
execute0_lowered:
.L_overlay_start_1:
0x0: {  	(tag) =	ssettag $0x1  }
0x1: {  	s0 =	rddreg [dreg:$0x0]  }
0x2: {  	s2 =	rddreg [dreg:$0x1]  }
0x3: {  	s1 =	srdreg.scid;
	s3 =	stileid.u32  }
0x4: {  	s8 =	simm.s32 $0x0;
	s12 =	simm.s32 $0x80;
	s20 =	simm.s32 $0x4  }
0x5: {  	s1 =	sand.u32 $0x1, s1;
	s4 =	sshll.u32 s3, $0x7;
	[smem:$0x7FF] =	sst s8  }
0x6: {  	s26 =	sadd.s32 $0x1800, s0;
	s28 =	sshll.u32 s3, $0x11;
	s5 =	sshll.u32 s1, $0x6  }
0x7: {  	_ =	strace $0x80000047;
	[dreg:$0x3] =	wrdreg s26;
	s6 =	ssub.s32 $0x2, s1  }
0x8: {  	v0 =	vlaneseq.u32;
	vm0 =	vcmask $0x300;
	s1 =	sshll.u32 s1, $0x10;
	s4 =	sor.u32 s5, s4;
	s5 =	sadd.s32 s28, s0  }
0x9: {  	vm1 =	vcmask $0x704;
	vm2 =	vcmask $0xB08;
	vm3 =	vcmask $0xF0C;
	s7 =	sshrl.u32 s6, $0x1;
	s4 =	sadd.s32 s4, s0;
	s0 =	sadd.s32 $0x1600, s0  }
0xa: {  	vm4 =	vcmask $0x1310;
	vm5 =	vcmask $0x1714;
	vm6 =	vcmask $0x1B18;
	s29 =	ssub.s32 s6, s7;
	[dreg:$0x4] =	wrdreg s0;
	s30 =	sadd.s32 $0xE00, s4  }
0xb: {  	vm7 =	vcmask $0x1F1C;
	vm8 =	vcmask $0x2320;
	vm9 =	vcmask $0x2724;
	s1 =	sadd.s32 s1, s5;
	s0 =	smax.u32 s29, $0x1;
	[dreg:$0x5] =	wrdreg s30  }
0xc: {  	vm10 =	vcmask $0x2B28;
	vm11 =	vcmask $0x2F2C;
	vm12 =	vcmask $0x3330;
	s21 =	simm.s32 $0x5;
	s31 =	sadd.s32 $0x2A00, s1;
	[dreg:$0x6] =	wrdreg s0  }
0xd: {  	vm13 =	vcmask $0x3734;
	vm14 =	vcmask $0x3B38;
	s22 =	simm.s32 $0x6;
	v0 =	vshrl.u32 v0, $0x3;
	s1 =	simm.s32 $0x0;
	[dreg:$0x7] =	wrdreg s31  }
.LBB2_1:
0xe: {  	[dreg:$0x8] =	wrdreg s1  }
0xf: {  	s0 =	rddreg [dreg:$0x5];
	s28 =	simm.s32 $0x7  }
0x10: {  	[tilespmem:s8], [sflag:$0x7] =	stream.linear.gather [hbm4b:s0+s8], $0x200, $0x38;
	[tilespmem:$0x11300] =	vst v63  }
0x11: {  	_ =	swait.ge [sflag:s28], $0x200  }
0x12: {  	[sflag:s28] =	ssyncset.done $0x0  }
0x13: {  	s3 =	simm.s32 $0x200;
	s29 =	rddreg [dreg:$0x3];
	[sflag:s28] =	ssyncadd.s32 $0xFFFFFE00  }
0x14: {  	[tilespmem:s3], [sflag:$0x7] =	stream.linear.gather [hbm4b:s29+s8], $0x80, $0x38;
	[tilespmem:$0x11300] =	vst v63  }
0x15: {  	_ =	swait.ge [sflag:s28], $0x80  }
0x16: {  	[sflag:s28] =	ssyncset.done $0x0  }
0x17: {  	s31 =	simm.s32 $0x280;
	s30 =	rddreg [dreg:$0x4];
	[sflag:s28] =	ssyncadd.s32 $0xFFFFFF80  }
0x18: {  	[tilespmem:s31], [sflag:$0x7] =	stream.linear.gather [hbm4b:s30+s8], $0x80, $0x38;
	[tilespmem:$0x11300] =	vst v63  }
0x19: {  	_ =	swait.ge [sflag:s28], $0x80  }
0x1a: {  	[sflag:s28] =	ssyncset.done $0x0  }
0x1b: {  	[sflag:s28] =	ssyncadd.s32 $0xFFFFFF80  }
0x1c: {  	v1 =	vld [tilespmem:$0x200]  }
0x1d: {  	s26 =	simm.s32 $0x340;
	s0 =	simm.s32 $0xE;
	v2 =	vld [tilespmem:$0x280]  }
.LBB2_2:
0x1e: {  	[dreg:$0x9] =	wrdreg s0  }
0x1f: {  	s0 =	rddreg [dreg:$0x9]  }
0x20: {  	s0 =	sadd.s32 $0xFFFFFFF2, s0  }
0x21: {  	v3 =	vor.u32 s0, v0;
	_ =	sdelay $0x3  }
0x22: {  	s24 =	simm.s32 $0x0  }
0x23: {  	v3 =	vld.idx.msk [tilespmem:v3+s24+$0x0], $0xffff;
	_ =	sdelay $0x4  }
0x24: {  	(v2sf) =	vpush v3, $0x0  }
0x25: {  	(v2sf) =	vpush v1, $0x0  }
0x26: {  	(v2sf) =	vpush v3, $0xF;
	_ =	sdelay $0x1  }
0x27: {  	(v2sf) =	vpush v1, $0xF  }
0x28: {  	(v2sf) =	vpush v3, $0x1;
	_ =	sdelay $0x1  }
0x29: {  	(v2sf) =	vpush v1, $0x1  }
0x2a: {  	(v2sf) =	vpush v3, $0x2;
	_ =	sdelay $0x1  }
0x2b: {  	(v2sf) =	vpush v1, $0x2  }
0x2c: {  	(v2sf) =	vpush v3, $0x3;
	_ =	sdelay $0x1  }
0x2d: {  	(v2sf) =	vpush v1, $0x3;
	_ =	sdelay $0x1  }
0x2e: {  	s25 =	spop (v2sf)  }
0x2f: {  	[dreg:$0xa] =	wrdreg s26;
	(v2sf) =	vpush v3, $0x4;
	s1 =	spop (v2sf);
	s6 =	sshra.s32 s25, $0x1F  }
0x30: {  	s4 =	sshra.s32 s1, $0x1F;
	s0 =	sxor.u32 s6, s25;
	s26 =	spop (v2sf)  }
0x31: {  	(v2sf) =	vpush v1, $0x4;
	s1 =	sxor.u32 s4, s1;
	s0 =	ssub.s32 s0, s6;
	s7 =	sshra.s32 s26, $0x1F  }
0x32: {  	(v2sf) =	vpush v3, $0x5;
	s28 =	spop (v2sf);
	s3 =	ssub.s32 s1, s4;
	s1 =	sxor.u32 s7, s26  }
0x33: {  	(v2sf) =	vpush v1, $0x5;
	s29 =	sshra.s32 s28, $0x1F;
	s5 =	spop (v2sf);
	[dreg:$0xe] =	wrdreg s3  }
0x34: {  	(v2sf) =	vpush v3, $0x6;
	(drf) =	srem.u32 s0, s3;
	s1 =	ssub.s32 s1, s7;
	s0 =	sxor.u32 s29, s28  }
0x35: {  	s9 =	spop (v2sf);
	s8 =	sshra.s32 s5, $0x1F;
	s30 =	ssub.s32 s0, s29  }
0x36: {  	s31 =	sshra.s32 s9, $0x1F;
	s4 =	sxor.u32 s8, s5;
	s10 =	spop (v2sf)  }
0x37: {  	(v2sf) =	vpush v1, $0x6;
	[dreg:$0x18] =	wrdreg s30;
	(drf) =	srem.u32 s1, s30;
	s5 =	sxor.u32 s31, s9  }
0x38: {  	(v2sf) =	vpush v3, $0x7;
	s1 =	ssub.s32 s4, s8;
	s11 =	spop (v2sf);
	s9 =	ssub.s32 s5, s31  }
0x39: {  	s13 =	sshra.s32 s11, $0x1F;
	s14 =	spop (v2sf);
	[dreg:$0x11] =	wrdreg s9  }
0x3a: {  	(v2sf) =	vpush v1, $0x7;
	(drf) =	srem.u32 s1, s9;
	s1 =	sshra.s32 s10, $0x1F;
	s4 =	sxor.u32 s13, s11  }
0x3b: {  	(v2sf) =	vpush v3, $0x8;
	s0 =	sxor.u32 s1, s10;
	s10 =	spop (v2sf);
	s15 =	ssub.s32 s4, s13  }
0x3c: {  	s11 =	ssub.s32 s0, s1;
	[dreg:$0xf] =	wrdreg s15;
	s17 =	sshra.s32 s10, $0x1F  }
0x3d: {  	(v2sf) =	vpush v1, $0x8;
	s0 =	sshra.s32 s14, $0x1F;
	(drf) =	srem.u32 s11, s15;
	s18 =	sxor.u32 s17, s10  }
0x3e: {  	s16 =	sxor.u32 s0, s14;
	s23 =	ssub.s32 s18, s17;
	s19 =	spop (v2sf)  }
0x3f: {  	s4 =	ssub.s32 s16, s0;
	[dreg:$0x13] =	wrdreg s23;
	s14 =	sshra.s32 s19, $0x1F  }
0x40: {  	(drf) =	srem.u32 s4, s23;
	s24 =	spop (v2sf);
	s25 =	sxor.u32 s14, s19  }
0x41: {  	s26 =	sshra.s32 s24, $0x1F;
	s28 =	spop (v2sf);
	s4 =	ssub.s32 s25, s14  }
0x42: {  	s5 =	sxor.u32 s26, s24;
	s29 =	sshra.s32 s28, $0x1F;
	s31 =	spop (v2sf)  }
0x43: {  	s30 =	ssub.s32 s5, s26;
	s9 =	sxor.u32 s29, s28;
	s11 =	spop (v2sf)  }
0x44: {  	s10 =	sshra.s32 s31, $0x1F;
	[dreg:$0x19] =	wrdreg s30;
	(drf) =	srem.u32 s4, s30  }
0x45: {  	s4 =	ssub.s32 s9, s29;
	s5 =	sxor.u32 s10, s31;
	s30 =	sshra.s32 s11, $0x1F  }
0x46: {  	s15 =	spop (v2sf);
	s13 =	ssub.s32 s5, s10;
	s16 =	sxor.u32 s30, s11  }
0x47: {  	s17 =	sshra.s32 s15, $0x1F;
	s18 =	spop (v2sf);
	[dreg:$0x17] =	wrdreg s13  }
0x48: {  	(v2sf) =	vpush v3, $0x9;
	(drf) =	srem.u32 s4, s13;
	s4 =	ssub.s32 s16, s30;
	s5 =	sxor.u32 s17, s15  }
0x49: {  	(v2sf) =	vpush v1, $0x9;
	s31 =	sshra.s32 s18, $0x1F;
	s23 =	spop (v2sf);
	s19 =	ssub.s32 s5, s17  }
0x4a: {  	s24 =	sxor.u32 s31, s18;
	s25 =	spop (v2sf);
	s26 =	sshra.s32 s23, $0x1F  }
0x4b: {  	(v2sf) =	vpush v3, $0xA;
	[dreg:$0x12] =	wrdreg s19;
	(drf) =	srem.u32 s4, s19;
	s5 =	sxor.u32 s26, s23  }
0x4c: {  	(v2sf) =	vpush v1, $0xA;
	s4 =	ssub.s32 s24, s31;
	s3 =	spop (v2sf);
	s13 =	ssub.s32 s5, s26  }
0x4d: {  	s28 =	sshra.s32 s25, $0x1F;
	s18 =	sshra.s32 s3, $0x1F;
	(drf) =	srem.u32 s4, s13  }
0x4e: {  	s19 =	spop (drf);
	s15 =	sxor.u32 s28, s25;
	s16 =	sxor.u32 s18, s3  }
0x4f: {  	s23 =	spop (drf);
	s17 =	ssub.s32 s15, s28;
	s18 =	ssub.s32 s16, s18  }
0x50: {  	(v2sf) =	vpush v3, $0xB;
	s24 =	spop (drf);
	(drf) =	srem.u32 s17, s18  }
0x51: {  	(v2sf) =	vpush v1, $0xB;
	s4 =	spop (drf)  }
0x52: {  	s9 =	spop (drf)  }
0x53: {  	(v2sf) =	vpush v3, $0xC;
	s5 =	spop (drf)  }
0x54: {  	(v2sf) =	vpush v1, $0xC;
	s10 =	spop (drf)  }
0x55: {  	[dreg:$0xb] =	wrdreg s13;
	s13 =	sxor.u32 s7, s23;
	s11 =	spop (drf)  }
0x56: {  	(v2sf) =	vpush v3, $0xD;
	s7 =	ssub.s32 s13, s7;
	[dreg:$0x16] =	wrdreg s18;
	s25 =	spop (drf)  }
0x57: {  	(v2sf) =	vpush v1, $0xD;
	s4 =	sxor.u32 s1, s4;
	[dreg:$0x1c] =	wrdreg s25;
	s25 =	spop (v2sf)  }
0x58: {  	s18 =	sxor.u32 s6, s19;
	s4 =	ssub.s32 s4, s1;
	s15 =	spop (v2sf)  }
0x59: {  	s6 =	ssub.s32 s18, s6;
	s23 =	sshra.s32 s25, $0x1F;
	s26 =	spop (drf)  }
0x5a: {  	(v2sf) =	vpush v3, $0xE;
	s16 =	sshra.s32 s15, $0x1F;
	[dreg:$0x1b] =	wrdreg s26;
	s26 =	spop (v2sf)  }
0x5b: {  	(v2sf) =	vpush v1, $0xE;
	s13 =	sxor.u32 s16, s15;
	s15 =	sxor.u32 s23, s25;
	s17 =	spop (v2sf)  }
0x5c: {  	s19 =	ssub.s32 s13, s16;
	s13 =	ssub.s32 s15, s23;
	s16 =	sshra.s32 s17, $0x1F  }
0x5d: {  	s25 =	sshra.s32 s26, $0x1F;
	[dreg:$0xc] =	wrdreg s19;
	s17 =	sxor.u32 s16, s17  }
0x5e: {  	(drf) =	srem.u32 s13, s19;
	s26 =	sxor.u32 s25, s26;
	s19 =	ssub.s32 s17, s16  }
0x5f: {  	s13 =	ssub.s32 s26, s25;
	s16 =	spop (v2sf);
	[dreg:$0x1a] =	wrdreg s19  }
0x60: {  	s15 =	sxor.u32 s8, s24;
	(drf) =	srem.u32 s13, s19;
	s19 =	spop (v2sf)  }
0x61: {  	s17 =	ssub.s32 s15, s8;
	s18 =	sshra.s32 s16, $0x1F;
	s3 =	sshra.s32 s19, $0x1F  }
0x62: {  	s26 =	spop (v2sf);
	s24 =	sxor.u32 s18, s16;
	s8 =	sxor.u32 s3, s19  }
0x63: {  	s15 =	spop (v2sf);
	s13 =	ssub.s32 s24, s18;
	s8 =	ssub.s32 s8, s3  }
0x64: {  	s16 =	sshra.s32 s15, $0x1F;
	[dreg:$0xd] =	wrdreg s8;
	(drf) =	srem.u32 s13, s8  }
0x65: {  	s19 =	sxor.u32 s16, s15;
	s15 =	sshra.s32 s26, $0x1F;
	s8 =	spop (v2sf)  }
0x66: {  	s13 =	ssub.s32 s19, s16;
	s3 =	sxor.u32 s15, s26;
	s16 =	spop (v2sf)  }
0x67: {  	s9 =	sxor.u32 s0, s9;
	s24 =	ssub.s32 s3, s15;
	s19 =	sshra.s32 s16, $0x1F  }
0x68: {  	s0 =	ssub.s32 s9, s0;
	(drf) =	srem.u32 s24, s13;
	s3 =	sxor.u32 s19, s16  }
0x69: {  	s24 =	sshra.s32 s8, $0x1F;
	s16 =	spop (v2sf);
	s3 =	ssub.s32 s3, s19  }
0x6a: {  	v3 =	vmov s7;
	s26 =	sxor.u32 s24, s8;
	s8 =	spop (v2sf);
	s7 =	sshra.s32 s16, $0x1F  }
0x6b: {  	[dreg:$0x15] =	wrdreg s3;
	s1 =	ssub.s32 s26, s24;
	s19 =	sshra.s32 s8, $0x1F  }
0x6c: {  	v3 =	vsel vm0, s6, v3;
	s16 =	sxor.u32 s7, s16;
	(drf) =	srem.u32 s1, s3;
	s3 =	sxor.u32 s19, s8  }
0x6d: {  	s9 =	sxor.u32 s29, s10;
	v3 =	vsel vm1, s17, v3;
	s6 =	ssub.s32 s16, s7;
	s1 =	ssub.s32 s3, s19  }
0x6e: {  	s10 =	ssub.s32 s9, s29;
	v3 =	vsel vm2, s4, v3;
	(drf) =	srem.u32 s6, s1;
	s6 =	sxor.u32 s14, s5  }
0x6f: {  	s17 =	rddreg [dreg:$0x1c];
	v3 =	vsel vm3, s0, v3;
	s26 =	spop (drf);
	s8 =	ssub.s32 s6, s14  }
0x70: {  	s19 =	sxor.u32 s31, s17;
	s3 =	spop (drf);
	s14 =	sxor.u32 s30, s11;
	v3 =	vsel vm4, s8, v3  }
0x71: {  	s16 =	ssub.s32 s14, s30;
	s30 =	ssub.s32 s19, s31;
	s31 =	rddreg [dreg:$0x1b];
	v3 =	vsel vm5, s10, v3  }
0x72: {  	[dreg:$0x10] =	wrdreg s1;
	s9 =	spop (drf);
	s1 =	sxor.u32 s28, s31;
	v3 =	vsel vm6, s16, v3  }
0x73: {  	s8 =	sxor.u32 s23, s26;
	s17 =	sxor.u32 s18, s9;
	s4 =	ssub.s32 s1, s28;
	v3 =	vsel vm7, s30, v3  }
0x74: {  	s11 =	sxor.u32 s25, s3;
	s10 =	ssub.s32 s8, s23;
	s23 =	ssub.s32 s17, s18;
	v3 =	vsel vm8, s4, v3  }
0x75: {  	s31 =	rddreg [dreg:$0x9];
	s14 =	spop (drf);
	s16 =	ssub.s32 s11, s25;
	v3 =	vsel vm9, s10, v3  }
0x76: {  	s6 =	sadd.s32 $0xFFFFFFF4, s31;
	s19 =	sxor.u32 s15, s14;
	s26 =	spop (drf);
	v3 =	vsel vm10, s16, v3  }
0x77: {  	s25 =	ssub.s32 s19, s15;
	s28 =	sxor.u32 s24, s26;
	v3 =	vsel vm11, s23, v3;
	s30 =	spop (drf)  }
0x78: {  	v4 =	vor.u32 s6, v0;
	s0 =	ssub.s32 s28, s24;
	v3 =	vsel vm12, s25, v3;
	s1 =	sxor.u32 s7, s30  }
0x79: {  	v3 =	vsel vm13, s0, v3;
	s3 =	ssub.s32 s1, s7  }
0x7a: {  	v3 =	vsel vm14, s3, v3  }
0x7b: {  	s29 =	rddreg [dreg:$0xa];
	v3 =	vadd.s32 v2, v3  }
0x7c: {  	s4 =	simm.s32 $0x0;
	[tilespmem:s29+$0xFFFFFFC0] =	vst v3  }
0x7d: {  	v3 =	vld.idx.msk [tilespmem:v4+s4+$0x0], $0xffff;
	_ =	sdelay $0x4  }
0x7e: {  	(v2sf) =	vpush v3, $0x0;
	_ =	sdelay $0x1  }
0x7f: {  	(v2sf) =	vpush v3, $0xF  }
0x80: {  	(v2sf) =	vpush v3, $0x1  }
0x81: {  	(v2sf) =	vpush v3, $0x2;
	_ =	sdelay $0x1  }
0x82: {  	(v2sf) =	vpush v3, $0x3;
	_ =	sdelay $0x7  }
0x83: {  	s18 =	rddreg [dreg:$0x11]  }
0x84: {  	s31 =	rddreg [dreg:$0x18];
	s5 =	spop (v2sf)  }
0x85: {  	s24 =	rddreg [dreg:$0xf];
	s6 =	sshra.s32 s5, $0x1F  }
0x86: {  	s30 =	rddreg [dreg:$0xe];
	s7 =	spop (v2sf);
	s0 =	sxor.u32 s6, s5  }
0x87: {  	s8 =	sshra.s32 s7, $0x1F;
	s10 =	spop (v2sf);
	s0 =	ssub.s32 s0, s6  }
0x88: {  	s5 =	sxor.u32 s8, s7;
	s11 =	sshra.s32 s10, $0x1F;
	s14 =	spop (v2sf)  }
0x89: {  	(v2sf) =	vpush v3, $0x4;
	(drf) =	srem.u32 s0, s30;
	s9 =	ssub.s32 s5, s8;
	s5 =	sxor.u32 s11, s10  }
0x8a: {  	s15 =	sshra.s32 s14, $0x1F;
	s16 =	spop (v2sf);
	(v2sf) =	vpush v3, $0x5;
	(drf) =	srem.u32 s9, s31  }
0x8b: {  	s5 =	ssub.s32 s5, s11;
	s7 =	sxor.u32 s15, s14;
	s17 =	sshra.s32 s16, $0x1F  }
0x8c: {  	(v2sf) =	vpush v3, $0x6;
	(drf) =	srem.u32 s5, s18;
	s19 =	ssub.s32 s7, s15;
	s23 =	sxor.u32 s17, s16  }
0x8d: {  	s26 =	rddreg [dreg:$0x13];
	(v2sf) =	vpush v3, $0x7;
	(drf) =	srem.u32 s19, s24;
	s25 =	ssub.s32 s23, s17  }
0x8e: {  	(drf) =	srem.u32 s25, s26  }
0x8f: {  	(v2sf) =	vpush v3, $0x8;
	_ =	sdelay $0x2  }
0x90: {  	[dreg:$0x14] =	wrdreg s13;
	(v2sf) =	vpush v3, $0x9  }
0x91: {  	s26 =	rddreg [dreg:$0x12];
	s28 =	spop (drf)  }
0x92: {  	(v2sf) =	vpush v3, $0xA;
	s1 =	spop (drf);
	s5 =	sxor.u32 s6, s28;
	s28 =	rddreg [dreg:$0x19]  }
0x93: {  	(v2sf) =	vpush v3, $0xB;
	s7 =	sxor.u32 s8, s1;
	s3 =	spop (drf);
	s4 =	ssub.s32 s5, s6  }
0x94: {  	s1 =	rddreg [dreg:$0x17];
	s6 =	ssub.s32 s7, s8;
	s8 =	spop (drf)  }
0x95: {  	s10 =	sxor.u32 s11, s3;
	s5 =	sxor.u32 s15, s8;
	s14 =	spop (drf)  }
0x96: {  	(v2sf) =	vpush v3, $0xC;
	s7 =	ssub.s32 s10, s11;
	s5 =	ssub.s32 s5, s15;
	s15 =	spop (v2sf)  }
0x97: {  	s10 =	sxor.u32 s17, s14;
	s0 =	sshra.s32 s15, $0x1F;
	s16 =	spop (v2sf)  }
0x98: {  	(v2sf) =	vpush v3, $0xD;
	s10 =	ssub.s32 s10, s17;
	s17 =	sxor.u32 s0, s15;
	s9 =	sshra.s32 s16, $0x1F  }
0x99: {  	(v2sf) =	vpush v3, $0xE;
	s18 =	spop (v2sf);
	s11 =	ssub.s32 s17, s0;
	s14 =	sxor.u32 s9, s16  }
0x9a: {  	s24 =	spop (v2sf);
	s19 =	ssub.s32 s14, s9;
	s14 =	sshra.s32 s18, $0x1F  }
0x9b: {  	(drf) =	srem.u32 s11, s28;
	s16 =	sshra.s32 s24, $0x1F;
	s23 =	sxor.u32 s14, s18  }
0x9c: {  	s25 =	spop (v2sf);
	(drf) =	srem.u32 s19, s1;
	s11 =	ssub.s32 s23, s14  }
0x9d: {  	s3 =	sxor.u32 s16, s24;
	(drf) =	srem.u32 s11, s26  }
0x9e: {  	s15 =	sshra.s32 s25, $0x1F;
	s11 =	ssub.s32 s3, s16;
	s3 =	rddreg [dreg:$0xb]  }
0x9f: {  	s17 =	sxor.u32 s15, s25;
	s8 =	spop (v2sf);
	s26 =	rddreg [dreg:$0xc]  }
0xa0: {  	s19 =	ssub.s32 s17, s15;
	(drf) =	srem.u32 s11, s3;
	s3 =	rddreg [dreg:$0x16]  }
0xa1: {  	s17 =	sshra.s32 s8, $0x1F;
	s24 =	spop (v2sf);
	(drf) =	srem.u32 s19, s3  }
0xa2: {  	s23 =	sxor.u32 s17, s8;
	s19 =	sshra.s32 s24, $0x1F;
	s25 =	spop (v2sf)  }
0xa3: {  	s8 =	rddreg [dreg:$0x1a];
	s11 =	ssub.s32 s23, s17;
	s24 =	sxor.u32 s19, s24  }
0xa4: {  	s18 =	sshra.s32 s25, $0x1F;
	(drf) =	srem.u32 s11, s26;
	s11 =	ssub.s32 s24, s19  }
0xa5: {  	s23 =	sxor.u32 s18, s25;
	s24 =	spop (v2sf);
	s26 =	rddreg [dreg:$0xd]  }
0xa6: {  	(drf) =	srem.u32 s11, s8;
	s25 =	ssub.s32 s23, s18;
	s23 =	sshra.s32 s24, $0x1F  }
0xa7: {  	(drf) =	srem.u32 s25, s26;
	s26 =	sxor.u32 s23, s24;
	s24 =	spop (v2sf)  }
0xa8: {  	s11 =	ssub.s32 s26, s23;
	s25 =	sshra.s32 s24, $0x1F;
	s26 =	spop (v2sf)  }
0xa9: {  	v3 =	vmov s6;
	(drf) =	srem.u32 s11, s13;
	s24 =	sxor.u32 s25, s24;
	s13 =	rddreg [dreg:$0x15]  }
0xaa: {  	v3 =	vsel vm0, s4, v3;
	s11 =	sshra.s32 s26, $0x1F;
	s6 =	ssub.s32 s24, s25;
	s24 =	spop (drf)  }
0xab: {  	v3 =	vsel vm1, s7, v3;
	s26 =	sxor.u32 s11, s26;
	(drf) =	srem.u32 s6, s13;
	s6 =	spop (drf)  }
0xac: {  	v3 =	vsel vm2, s5, v3;
	s5 =	sxor.u32 s0, s24;
	s7 =	ssub.s32 s26, s11;
	s26 =	rddreg [dreg:$0x10]  }
0xad: {  	s24 =	sxor.u32 s9, s6;
	(drf) =	srem.u32 s7, s26;
	s7 =	spop (drf)  }
0xae: {  	v3 =	vsel vm3, s10, v3;
	s0 =	ssub.s32 s5, s0;
	s4 =	ssub.s32 s24, s9;
	s26 =	spop (drf)  }
0xaf: {  	v3 =	vsel vm4, s0, v3;
	s5 =	sxor.u32 s14, s7;
	s7 =	spop (drf);
	s10 =	sxor.u32 s16, s26  }
0xb0: {  	v3 =	vsel vm5, s4, v3;
	s9 =	ssub.s32 s5, s14;
	s14 =	spop (drf);
	s16 =	ssub.s32 s10, s16  }
0xb1: {  	v3 =	vsel vm6, s9, v3;
	s24 =	sxor.u32 s15, s7;
	s26 =	spop (drf);
	s6 =	sxor.u32 s17, s14  }
0xb2: {  	v3 =	vsel vm7, s16, v3;
	s4 =	ssub.s32 s24, s15;
	s7 =	spop (drf);
	s9 =	ssub.s32 s6, s17  }
0xb3: {  	v3 =	vsel vm8, s4, v3;
	s10 =	sxor.u32 s19, s26;
	s26 =	rddreg [dreg:$0x9];
	s14 =	spop (drf)  }
0xb4: {  	v3 =	vsel vm9, s9, v3;
	s15 =	ssub.s32 s10, s19;
	s16 =	sxor.u32 s18, s7;
	s6 =	sadd.s32 $0xFFFFFFF6, s26  }
0xb5: {  	s5 =	sxor.u32 s23, s14;
	v3 =	vsel vm10, s15, v3;
	s17 =	ssub.s32 s16, s18;
	s19 =	spop (drf)  }
0xb6: {  	s18 =	ssub.s32 s5, s23;
	v3 =	vsel vm11, s17, v3;
	s23 =	sxor.u32 s25, s19;
	s24 =	spop (drf)  }
0xb7: {  	v58 =	vor.u32 s6, v0;
	v3 =	vsel vm12, s18, v3;
	s0 =	ssub.s32 s23, s25;
	s5 =	sxor.u32 s11, s24  }
0xb8: {  	v3 =	vsel vm13, s0, v3;
	s7 =	ssub.s32 s5, s11  }
0xb9: {  	v3 =	vsel vm14, s7, v3  }
0xba: {  	v3 =	vadd.s32 v2, v3  }
0xbb: {  	s9 =	simm.s32 $0x0;
	[tilespmem:s29+$0xFFFFFFD0] =	vst v3  }
0xbc: {  	v3 =	vld.idx.msk [tilespmem:v58+s9+$0x0], $0xffff;
	_ =	sdelay $0x4  }
0xbd: {  	(v2sf) =	vpush v3, $0x0  }
0xbe: {  	(v2sf) =	vpush v3, $0xF;
	_ =	sdelay $0x1  }
0xbf: {  	(v2sf) =	vpush v3, $0x1  }
0xc0: {  	(v2sf) =	vpush v3, $0x2  }
0xc1: {  	(v2sf) =	vpush v3, $0x3;
	_ =	sdelay $0x8  }
0xc2: {  	(v2sf) =	vpush v3, $0x4  }
0xc3: {  	s10 =	spop (v2sf)  }
0xc4: {  	s4 =	sshra.s32 s10, $0x1F;
	s11 =	spop (v2sf)  }
0xc5: {  	s29 =	rddreg [dreg:$0x11];
	s0 =	sxor.u32 s4, s10;
	s6 =	sshra.s32 s11, $0x1F  }
0xc6: {  	s15 =	spop (v2sf);
	s0 =	ssub.s32 s0, s4;
	s5 =	sxor.u32 s6, s11  }
0xc7: {  	s16 =	spop (v2sf);
	(drf) =	srem.u32 s0, s30;
	s14 =	ssub.s32 s5, s6  }
0xc8: {  	s0 =	sshra.s32 s15, $0x1F;
	s9 =	sshra.s32 s16, $0x1F;
	s17 =	spop (v2sf)  }
0xc9: {  	(v2sf) =	vpush v3, $0x5;
	s30 =	rddreg [dreg:$0xf];
	(drf) =	srem.u32 s14, s31;
	s5 =	sxor.u32 s0, s15  }
0xca: {  	s7 =	sxor.u32 s9, s16;
	s11 =	sshra.s32 s17, $0x1F;
	s5 =	ssub.s32 s5, s0  }
0xcb: {  	(v2sf) =	vpush v3, $0x6;
	s18 =	ssub.s32 s7, s9;
	s19 =	sxor.u32 s11, s17;
	(drf) =	srem.u32 s5, s29  }
0xcc: {  	s31 =	rddreg [dreg:$0x13];
	(v2sf) =	vpush v3, $0x7;
	s23 =	ssub.s32 s19, s11;
	(drf) =	srem.u32 s18, s30  }
0xcd: {  	(drf) =	srem.u32 s23, s31  }
0xce: {  	(v2sf) =	vpush v3, $0x8;
	_ =	sdelay $0x1  }
0xcf: {  	(v2sf) =	vpush v3, $0x9  }
0xd0: {  	s17 =	spop (v2sf);
	(v2sf) =	vpush v3, $0xA  }
0xd1: {  	s24 =	spop (drf)  }
0xd2: {  	s25 =	spop (drf)  }
0xd3: {  	(v2sf) =	vpush v3, $0xB;
	s5 =	sxor.u32 s4, s24;
	s7 =	sxor.u32 s6, s25;
	s26 =	spop (drf)  }
0xd4: {  	(v2sf) =	vpush v3, $0xC;
	s4 =	ssub.s32 s5, s4;
	s6 =	ssub.s32 s7, s6;
	s14 =	spop (drf)  }
0xd5: {  	s15 =	sxor.u32 s0, s26;
	s5 =	sxor.u32 s9, s14;
	s16 =	spop (drf)  }
0xd6: {  	s7 =	ssub.s32 s15, s0;
	s0 =	sshra.s32 s17, $0x1F;
	s5 =	ssub.s32 s5, s9  }
0xd7: {  	(v2sf) =	vpush v3, $0xD;
	s10 =	sxor.u32 s11, s16;
	s18 =	spop (v2sf);
	s19 =	sxor.u32 s0, s17  }
0xd8: {  	(v2sf) =	vpush v3, $0xE;
	v3 =	vmov s6;
	s6 =	rddreg [dreg:$0x14];
	s10 =	ssub.s32 s10, s11;
	s11 =	ssub.s32 s19, s0  }
0xd9: {  	s9 =	sshra.s32 s18, $0x1F;
	s23 =	spop (v2sf);
	(drf) =	srem.u32 s11, s28  }
0xda: {  	s14 =	sxor.u32 s9, s18;
	s26 =	spop (v2sf);
	s28 =	rddreg [dreg:$0x12]  }
0xdb: {  	s24 =	ssub.s32 s14, s9;
	s14 =	sshra.s32 s23, $0x1F;
	s16 =	sshra.s32 s26, $0x1F  }
0xdc: {  	(drf) =	srem.u32 s24, s1;
	s25 =	sxor.u32 s14, s23;
	s1 =	spop (v2sf)  }
0xdd: {  	s18 =	sxor.u32 s16, s26;
	s23 =	rddreg [dreg:$0xb];
	s11 =	ssub.s32 s25, s14  }
0xde: {  	s15 =	sshra.s32 s1, $0x1F;
	s19 =	spop (v2sf);
	(drf) =	srem.u32 s11, s28  }
0xdf: {  	s11 =	ssub.s32 s18, s16;
	s17 =	sxor.u32 s15, s1;
	s26 =	spop (v2sf)  }
0xe0: {  	(drf) =	srem.u32 s11, s23;
	s24 =	ssub.s32 s17, s15;
	s17 =	sshra.s32 s19, $0x1F  }
0xe1: {  	(drf) =	srem.u32 s24, s3;
	s25 =	sxor.u32 s17, s19;
	s19 =	sshra.s32 s26, $0x1F  }
0xe2: {  	s3 =	spop (v2sf);
	s24 =	rddreg [dreg:$0xc];
	s11 =	ssub.s32 s25, s17  }
0xe3: {  	s25 =	sxor.u32 s19, s26;
	s18 =	sshra.s32 s3, $0x1F;
	s26 =	spop (v2sf)  }
0xe4: {  	(drf) =	srem.u32 s11, s24;
	s11 =	ssub.s32 s25, s19;
	s23 =	sxor.u32 s18, s3  }
0xe5: {  	(drf) =	srem.u32 s11, s8;
	s3 =	ssub.s32 s23, s18;
	s23 =	sshra.s32 s26, $0x1F  }
0xe6: {  	s8 =	rddreg [dreg:$0xd];
	s25 =	sxor.u32 s23, s26;
	s26 =	spop (v2sf)  }
0xe7: {  	(drf) =	srem.u32 s3, s8;
	s11 =	ssub.s32 s25, s23;
	s25 =	sshra.s32 s26, $0x1F  }
0xe8: {  	(drf) =	srem.u32 s11, s6;
	s8 =	sxor.u32 s25, s26;
	s3 =	spop (v2sf)  }
0xe9: {  	s26 =	rddreg [dreg:$0x10];
	s24 =	ssub.s32 s8, s25;
	s11 =	sshra.s32 s3, $0x1F  }
0xea: {  	v3 =	vsel vm0, s4, v3;
	(drf) =	srem.u32 s24, s13;
	s1 =	sxor.u32 s11, s3;
	s3 =	spop (drf)  }
0xeb: {  	v3 =	vsel vm1, s7, v3;
	s8 =	ssub.s32 s1, s11;
	s13 =	spop (drf);
	s1 =	sxor.u32 s0, s3  }
0xec: {  	v3 =	vsel vm2, s5, v3;
	(drf) =	srem.u32 s8, s26;
	s3 =	spop (drf);
	s7 =	sxor.u32 s9, s13  }
0xed: {  	v3 =	vsel vm3, s10, v3;
	s0 =	ssub.s32 s1, s0;
	s8 =	spop (drf);
	s10 =	ssub.s32 s7, s9  }
0xee: {  	v3 =	vsel vm4, s0, v3;
	s13 =	sxor.u32 s14, s3;
	s24 =	spop (drf);
	s1 =	sxor.u32 s16, s8  }
0xef: {  	v3 =	vsel vm5, s10, v3;
	s26 =	ssub.s32 s13, s14;
	s3 =	spop (drf);
	s4 =	ssub.s32 s1, s16  }
0xf0: {  	v3 =	vsel vm6, s26, v3;
	s5 =	sxor.u32 s15, s24;
	s1 =	rddreg [dreg:$0x9];
	s7 =	spop (drf)  }
0xf1: {  	v3 =	vsel vm7, s4, v3;
	s8 =	ssub.s32 s5, s15;
	s9 =	sxor.u32 s17, s3;
	s10 =	spop (drf)  }
0xf2: {  	v3 =	vsel vm8, s8, v3;
	s13 =	ssub.s32 s9, s17;
	s14 =	sxor.u32 s19, s7;
	s15 =	spop (drf)  }
0xf3: {  	v3 =	vsel vm9, s13, v3;
	s16 =	ssub.s32 s14, s19;
	s17 =	sxor.u32 s18, s10;
	s5 =	sxor.u32 s23, s15  }
0xf4: {  	v3 =	vsel vm10, s16, v3;
	s18 =	ssub.s32 s17, s18;
	s19 =	ssub.s32 s5, s23;
	s23 =	spop (drf)  }
0xf5: {  	s6 =	sadd.s32 $0xFFFFFFF8, s1;
	v3 =	vsel vm11, s18, v3;
	s24 =	sxor.u32 s25, s23;
	s26 =	spop (drf)  }
0xf6: {  	v59 =	vor.u32 s6, v0;
	v3 =	vsel vm12, s19, v3;
	s0 =	ssub.s32 s24, s25;
	s3 =	sxor.u32 s11, s26  }
0xf7: {  	v3 =	vsel vm13, s0, v3;
	s5 =	ssub.s32 s3, s11  }
0xf8: {  	v3 =	vsel vm14, s5, v3  }
0xf9: {  	s6 =	rddreg [dreg:$0xa];
	v3 =	vadd.s32 v2, v3  }
0xfa: {  	s7 =	simm.s32 $0x0;
	[tilespmem:s6+$0xFFFFFFE0] =	vst v3  }
0xfb: {  	v3 =	vld.idx.msk [tilespmem:v59+s7+$0x0], $0xffff;
	_ =	sdelay $0x4  }
0xfc: {  	(v2sf) =	vpush v3, $0x0;
	_ =	sdelay $0x1  }
0xfd: {  	(v2sf) =	vpush v3, $0xF  }
0xfe: {  	(v2sf) =	vpush v3, $0x1  }
0xff: {  	(v2sf) =	vpush v3, $0x2;
	_ =	sdelay $0x1  }
0x100: {  	(v2sf) =	vpush v3, $0x3;
	_ =	sdelay $0x8  }
0x101: {  	s8 =	spop (v2sf)  }
0x102: {  	s17 =	rddreg [dreg:$0xe];
	s9 =	sshra.s32 s8, $0x1F  }
0x103: {  	s23 =	rddreg [dreg:$0x18];
	s10 =	spop (v2sf);
	s0 =	sxor.u32 s9, s8  }
0x104: {  	s11 =	sshra.s32 s10, $0x1F;
	s19 =	spop (v2sf);
	s0 =	ssub.s32 s0, s9  }
0x105: {  	s5 =	sxor.u32 s11, s10;
	s24 =	sshra.s32 s19, $0x1F;
	s25 =	spop (v2sf)  }
0x106: {  	(v2sf) =	vpush v3, $0x4;
	(drf) =	srem.u32 s0, s17;
	s18 =	ssub.s32 s5, s11;
	s5 =	sxor.u32 s24, s19  }
0x107: {  	s26 =	sshra.s32 s25, $0x1F;
	s1 =	spop (v2sf);
	(v2sf) =	vpush v3, $0x5;
	(drf) =	srem.u32 s18, s23  }
0x108: {  	s5 =	ssub.s32 s5, s24;
	s7 =	sxor.u32 s26, s25;
	s3 =	sshra.s32 s1, $0x1F  }
0x109: {  	(v2sf) =	vpush v3, $0x6;
	(drf) =	srem.u32 s5, s29;
	s8 =	ssub.s32 s7, s26;
	s13 =	sxor.u32 s3, s1  }
0x10a: {  	(v2sf) =	vpush v3, $0x7;
	(drf) =	srem.u32 s8, s30;
	s14 =	ssub.s32 s13, s3  }
0x10b: {  	(v2sf) =	vpush v3, $0x8;
	(drf) =	srem.u32 s14, s31;
	_ =	sdelay $0x1  }
0x10c: {  	(v2sf) =	vpush v3, $0x9;
	_ =	sdelay $0x1  }
0x10d: {  	(v2sf) =	vpush v3, $0xA  }
0x10e: {  	s1 =	rddreg [dreg:$0x19];
	s15 =	spop (drf)  }
0x10f: {  	s31 =	rddreg [dreg:$0x17];
	(v2sf) =	vpush v3, $0xB;
	s16 =	spop (drf);
	s5 =	sxor.u32 s9, s15  }
0x110: {  	s7 =	sxor.u32 s11, s16;
	s17 =	spop (drf);
	s4 =	ssub.s32 s5, s9  }
0x111: {  	(v2sf) =	vpush v3, $0xC;
	s6 =	ssub.s32 s7, s11;
	s18 =	spop (drf);
	s19 =	sxor.u32 s24, s17  }
0x112: {  	(v2sf) =	vpush v3, $0xD;
	s5 =	sxor.u32 s26, s18;
	s23 =	spop (drf);
	s7 =	ssub.s32 s19, s24  }
0x113: {  	s24 =	spop (v2sf);
	s5 =	ssub.s32 s5, s26;
	s10 =	sxor.u32 s3, s23  }
0x114: {  	s0 =	sshra.s32 s24, $0x1F;
	s25 =	spop (v2sf);
	s10 =	ssub.s32 s10, s3  }
0x115: {  	s26 =	sxor.u32 s0, s24;
	s24 =	rddreg [dreg:$0x16];
	s9 =	sshra.s32 s25, $0x1F  }
0x116: {  	s11 =	ssub.s32 s26, s0;
	s29 =	spop (v2sf);
	s14 =	sxor.u32 s9, s25  }
0x117: {  	(v2sf) =	vpush v3, $0xE;
	(drf) =	srem.u32 s11, s1;
	s8 =	spop (v2sf);
	s30 =	ssub.s32 s14, s9  }
0x118: {  	s14 =	sshra.s32 s29, $0x1F;
	s16 =	sshra.s32 s8, $0x1F;
	s13 =	spop (v2sf)  }
0x119: {  	(drf) =	srem.u32 s30, s31;
	s3 =	sxor.u32 s14, s29;
	s18 =	sxor.u32 s16, s8  }
0x11a: {  	s15 =	sshra.s32 s13, $0x1F;
	s19 =	spop (v2sf);
	s8 =	rddreg [dreg:$0xb]  }
0x11b: {  	s31 =	rddreg [dreg:$0x1a];
	s11 =	ssub.s32 s3, s14;
	s3 =	smov.u32 s28  }
0x11c: {  	s17 =	sxor.u32 s15, s13;
	s26 =	spop (v2sf);
	s13 =	rddreg [dreg:$0xc]  }
0x11d: {  	(drf) =	srem.u32 s11, s28;
	s11 =	ssub.s32 s18, s16;
	s23 =	ssub.s32 s17, s15  }
0x11e: {  	s17 =	sshra.s32 s19, $0x1F;
	s28 =	spop (v2sf);
	(drf) =	srem.u32 s11, s8  }
0x11f: {  	s25 =	sxor.u32 s17, s19;
	s19 =	sshra.s32 s26, $0x1F;
	s18 =	sshra.s32 s28, $0x1F  }
0x120: {  	s30 =	spop (v2sf);
	(drf) =	srem.u32 s23, s24;
	s11 =	ssub.s32 s25, s17  }
0x121: {  	s29 =	sxor.u32 s19, s26;
	s23 =	sxor.u32 s18, s28;
	s28 =	spop (v2sf)  }
0x122: {  	(drf) =	srem.u32 s11, s13;
	s11 =	ssub.s32 s29, s19;
	s25 =	ssub.s32 s23, s18  }
0x123: {  	s23 =	sshra.s32 s30, $0x1F;
	s29 =	rddreg [dreg:$0xd];
	(drf) =	srem.u32 s11, s31  }
0x124: {  	s26 =	sxor.u32 s23, s30;
	s30 =	rddreg [dreg:$0x14];
	(drf) =	srem.u32 s25, s29  }
0x125: {  	v3 =	vmov s6;
	s11 =	ssub.s32 s26, s23;
	s25 =	sshra.s32 s28, $0x1F;
	s24 =	spop (drf)  }
0x126: {  	v3 =	vsel vm0, s4, v3;
	(drf) =	srem.u32 s11, s30;
	s28 =	sxor.u32 s25, s28;
	s26 =	spop (v2sf)  }
0x127: {  	v3 =	vsel vm1, s7, v3;
	s6 =	ssub.s32 s28, s25;
	s28 =	rddreg [dreg:$0x15];
	s11 =	sshra.s32 s26, $0x1F  }
0x128: {  	v3 =	vsel vm2, s5, v3;
	s5 =	sxor.u32 s0, s24;
	(drf) =	srem.u32 s6, s28;
	s26 =	sxor.u32 s11, s26  }
0x129: {  	s28 =	rddreg [dreg:$0x10];
	s7 =	ssub.s32 s26, s11;
	s26 =	spop (drf)  }
0x12a: {  	s0 =	ssub.s32 s5, s0;
	(drf) =	srem.u32 s7, s28;
	s7 =	spop (drf)  }
0x12b: {  	v3 =	vsel vm3, s10, v3;
	s24 =	sxor.u32 s9, s26;
	s26 =	spop (drf);
	s5 =	sxor.u32 s14, s7  }
0x12c: {  	v3 =	vsel vm4, s0, v3;
	s4 =	ssub.s32 s24, s9;
	s7 =	spop (drf);
	s9 =	ssub.s32 s5, s14  }
0x12d: {  	v3 =	vsel vm5, s4, v3;
	s10 =	sxor.u32 s16, s26;
	s14 =	spop (drf);
	s24 =	sxor.u32 s15, s7  }
0x12e: {  	v3 =	vsel vm6, s9, v3;
	s16 =	ssub.s32 s10, s16;
	s26 =	spop (drf);
	s4 =	ssub.s32 s24, s15  }
0x12f: {  	v3 =	vsel vm7, s16, v3;
	s7 =	sxor.u32 s17, s14;
	s9 =	spop (drf);
	s14 =	sxor.u32 s19, s26  }
0x130: {  	v3 =	vsel vm8, s4, v3;
	s10 =	ssub.s32 s7, s17;
	s15 =	spop (drf);
	s16 =	ssub.s32 s14, s19  }
0x131: {  	v3 =	vsel vm9, s10, v3;
	s17 =	sxor.u32 s18, s9;
	s9 =	rddreg [dreg:$0x9];
	s5 =	sxor.u32 s23, s15  }
0x132: {  	v3 =	vsel vm10, s16, v3;
	s19 =	ssub.s32 s17, s18;
	s26 =	spop (drf);
	s6 =	sadd.s32 $0xFFFFFFFA, s9  }
0x133: {  	s24 =	ssub.s32 s5, s23;
	v3 =	vsel vm11, s19, v3;
	s5 =	sxor.u32 s25, s26;
	s7 =	spop (drf)  }
0x134: {  	v60 =	vor.u32 s6, v0;
	v3 =	vsel vm12, s24, v3;
	s0 =	ssub.s32 s5, s25;
	s10 =	sxor.u32 s11, s7  }
0x135: {  	v3 =	vsel vm13, s0, v3;
	s11 =	ssub.s32 s10, s11  }
0x136: {  	v3 =	vsel vm14, s11, v3  }
0x137: {  	s14 =	rddreg [dreg:$0xa];
	v3 =	vadd.s32 v2, v3  }
0x138: {  	s15 =	simm.s32 $0x0;
	[tilespmem:s14+$0xFFFFFFF0] =	vst v3  }
0x139: {  	v3 =	vld.idx.msk [tilespmem:v60+s15+$0x0], $0xffff;
	_ =	sdelay $0x4  }
0x13a: {  	(v2sf) =	vpush v3, $0x0;
	_ =	sdelay $0x1  }
0x13b: {  	(v2sf) =	vpush v3, $0xF  }
0x13c: {  	(v2sf) =	vpush v3, $0x1  }
0x13d: {  	(v2sf) =	vpush v3, $0x2;
	_ =	sdelay $0x1  }
0x13e: {  	(v2sf) =	vpush v3, $0x3;
	_ =	sdelay $0x7  }
0x13f: {  	(v2sf) =	vpush v3, $0x4  }
0x140: {  	s18 =	rddreg [dreg:$0xe];
	s16 =	spop (v2sf)  }
0x141: {  	s24 =	rddreg [dreg:$0x18];
	s4 =	sshra.s32 s16, $0x1F  }
0x142: {  	s15 =	rddreg [dreg:$0x11];
	s17 =	spop (v2sf);
	s0 =	sxor.u32 s4, s16  }
0x143: {  	s6 =	sshra.s32 s17, $0x1F;
	s23 =	spop (v2sf);
	s0 =	ssub.s32 s0, s4  }
0x144: {  	s5 =	sxor.u32 s6, s17;
	s25 =	spop (v2sf);
	(drf) =	srem.u32 s0, s18  }
0x145: {  	s19 =	ssub.s32 s5, s6;
	s0 =	sshra.s32 s23, $0x1F;
	s9 =	sshra.s32 s25, $0x1F  }
0x146: {  	s26 =	spop (v2sf);
	s18 =	rddreg [dreg:$0xf];
	s5 =	sxor.u32 s0, s23  }
0x147: {  	(v2sf) =	vpush v3, $0x5;
	(drf) =	srem.u32 s19, s24;
	s7 =	sxor.u32 s9, s25;
	s5 =	ssub.s32 s5, s0  }
0x148: {  	s11 =	sshra.s32 s26, $0x1F;
	(v2sf) =	vpush v3, $0x6;
	s16 =	ssub.s32 s7, s9;
	(drf) =	srem.u32 s5, s15  }
0x149: {  	s17 =	sxor.u32 s11, s26;
	(v2sf) =	vpush v3, $0x7;
	(drf) =	srem.u32 s16, s18  }
0x14a: {  	s23 =	rddreg [dreg:$0x13];
	s19 =	ssub.s32 s17, s11  }
0x14b: {  	(v2sf) =	vpush v3, $0x8;
	(drf) =	srem.u32 s19, s23  }
0x14c: {  	(v2sf) =	vpush v3, $0x9  }
0x14d: {  	(v2sf) =	vpush v3, $0xA  }
0x14e: {  	s16 =	spop (v2sf)  }
0x14f: {  	(v2sf) =	vpush v3, $0xB;
	s24 =	spop (drf)  }
0x150: {  	s25 =	spop (drf)  }
0x151: {  	s7 =	sxor.u32 s6, s25;
	s26 =	spop (drf)  }
0x152: {  	s5 =	sxor.u32 s4, s24;
	s6 =	ssub.s32 s7, s6;
	s7 =	spop (drf)  }
0x153: {  	(v2sf) =	vpush v3, $0xC;
	s4 =	ssub.s32 s5, s4;
	s14 =	sxor.u32 s0, s26;
	s5 =	sxor.u32 s9, s7  }
0x154: {  	s15 =	spop (drf);
	s7 =	ssub.s32 s14, s0;
	s0 =	sshra.s32 s16, $0x1F  }
0x155: {  	(v2sf) =	vpush v3, $0xD;
	s5 =	ssub.s32 s5, s9;
	s10 =	sxor.u32 s11, s15;
	s18 =	sxor.u32 s0, s16  }
0x156: {  	s17 =	spop (v2sf);
	s10 =	ssub.s32 s10, s11;
	s11 =	ssub.s32 s18, s0  }
0x157: {  	(v2sf) =	vpush v3, $0xE;
	s9 =	sshra.s32 s17, $0x1F;
	s19 =	spop (v2sf);
	(drf) =	srem.u32 s11, s1  }
0x158: {  	s14 =	sxor.u32 s9, s17;
	s1 =	rddreg [dreg:$0x17];
	s25 =	spop (v2sf)  }
0x159: {  	s23 =	ssub.s32 s14, s9;
	s14 =	sshra.s32 s19, $0x1F;
	s16 =	sshra.s32 s25, $0x1F  }
0x15a: {  	s26 =	spop (v2sf);
	(drf) =	srem.u32 s23, s1;
	s24 =	sxor.u32 s14, s19  }
0x15b: {  	s18 =	sxor.u32 s16, s25;
	s15 =	sshra.s32 s26, $0x1F;
	s19 =	spop (v2sf)  }
0x15c: {  	s11 =	ssub.s32 s24, s14;
	s17 =	sxor.u32 s15, s26;
	s25 =	spop (v2sf)  }
0x15d: {  	(drf) =	srem.u32 s11, s3;
	s11 =	ssub.s32 s18, s16;
	s23 =	ssub.s32 s17, s15  }
0x15e: {  	s17 =	sshra.s32 s19, $0x1F;
	s26 =	spop (v2sf);
	(drf) =	srem.u32 s11, s8  }
0x15f: {  	s8 =	rddreg [dreg:$0x16];
	s24 =	sxor.u32 s17, s19;
	s19 =	sshra.s32 s25, $0x1F  }
0x160: {  	s18 =	sshra.s32 s26, $0x1F;
	(drf) =	srem.u32 s23, s8;
	s11 =	ssub.s32 s24, s17  }
0x161: {  	s3 =	sxor.u32 s19, s25;
	s23 =	sxor.u32 s18, s26;
	(drf) =	srem.u32 s11, s13  }
0x162: {  	s11 =	ssub.s32 s3, s19;
	s13 =	spop (v2sf);
	s25 =	ssub.s32 s23, s18  }
0x163: {  	(drf) =	srem.u32 s11, s31;
	s23 =	sshra.s32 s13, $0x1F;
	s31 =	smov.u32 s29  }
0x164: {  	(drf) =	srem.u32 s25, s29;
	s26 =	sxor.u32 s23, s13;
	s29 =	spop (v2sf)  }
0x165: {  	s11 =	ssub.s32 s26, s23;
	s25 =	sshra.s32 s29, $0x1F  }
0x166: {  	(drf) =	srem.u32 s11, s30;
	s13 =	sxor.u32 s25, s29;
	s3 =	spop (v2sf)  }
0x167: {  	v3 =	vmov s6;
	s29 =	rddreg [dreg:$0x15];
	s24 =	ssub.s32 s13, s25;
	s11 =	sshra.s32 s3, $0x1F  }
0x168: {  	v3 =	vsel vm0, s4, v3;
	(drf) =	srem.u32 s24, s29;
	s30 =	sxor.u32 s11, s3;
	s3 =	spop (drf)  }
0x169: {  	v3 =	vsel vm1, s7, v3;
	s13 =	ssub.s32 s30, s11;
	s26 =	spop (drf);
	s30 =	sxor.u32 s0, s3  }
0x16a: {  	v3 =	vsel vm2, s5, v3;
	(drf) =	srem.u32 s13, s28;
	s3 =	spop (drf);
	s7 =	sxor.u32 s9, s26  }
0x16b: {  	v3 =	vsel vm3, s10, v3;
	s0 =	ssub.s32 s30, s0;
	s10 =	spop (drf);
	s13 =	ssub.s32 s7, s9  }
0x16c: {  	v3 =	vsel vm4, s0, v3;
	s24 =	sxor.u32 s14, s3;
	s26 =	spop (drf);
	s30 =	sxor.u32 s16, s10  }
0x16d: {  	v3 =	vsel vm5, s13, v3;
	s28 =	ssub.s32 s24, s14;
	s3 =	spop (drf);
	s4 =	ssub.s32 s30, s16  }
0x16e: {  	v3 =	vsel vm6, s28, v3;
	s5 =	sxor.u32 s15, s26;
	s7 =	spop (drf);
	s10 =	sxor.u32 s17, s3  }
0x16f: {  	v3 =	vsel vm7, s4, v3;
	s9 =	ssub.s32 s5, s15;
	s13 =	spop (drf);
	s14 =	ssub.s32 s10, s17  }
0x170: {  	v3 =	vsel vm8, s9, v3;
	s15 =	sxor.u32 s19, s7;
	s7 =	rddreg [dreg:$0x9];
	s16 =	spop (drf)  }
0x171: {  	v3 =	vsel vm9, s14, v3;
	s17 =	ssub.s32 s15, s19;
	s19 =	sxor.u32 s18, s13;
	s6 =	sadd.s32 $0xFFFFFFFC, s7  }
0x172: {  	s5 =	sxor.u32 s23, s16;
	v3 =	vsel vm10, s17, v3;
	s24 =	ssub.s32 s19, s18;
	s28 =	spop (drf)  }
0x173: {  	s26 =	ssub.s32 s5, s23;
	v3 =	vsel vm11, s24, v3;
	s30 =	sxor.u32 s25, s28;
	s3 =	spop (drf)  }
0x174: {  	v61 =	vor.u32 s6, v0;
	v3 =	vsel vm12, s26, v3;
	s0 =	ssub.s32 s30, s25;
	s9 =	sxor.u32 s11, s3  }
0x175: {  	v3 =	vsel vm13, s0, v3;
	s10 =	ssub.s32 s9, s11  }
0x176: {  	v3 =	vsel vm14, s10, v3  }
0x177: {  	s28 =	rddreg [dreg:$0xa];
	v3 =	vadd.s32 v2, v3  }
0x178: {  	s11 =	simm.s32 $0x0;
	[tilespmem:s28+$0x0] =	vst v3  }
0x179: {  	v3 =	vld.idx.msk [tilespmem:v61+s11+$0x0], $0xffff;
	_ =	sdelay $0x4  }
0x17a: {  	(v2sf) =	vpush v3, $0x0  }
0x17b: {  	(v2sf) =	vpush v3, $0xF;
	_ =	sdelay $0x1  }
0x17c: {  	(v2sf) =	vpush v3, $0x1  }
0x17d: {  	(v2sf) =	vpush v3, $0x2;
	_ =	sdelay $0x1  }
0x17e: {  	(v2sf) =	vpush v3, $0x3;
	_ =	sdelay $0x7  }
0x17f: {  	(v2sf) =	vpush v3, $0x4  }
0x180: {  	s24 =	rddreg [dreg:$0xf];
	s13 =	spop (v2sf)  }
0x181: {  	s30 =	rddreg [dreg:$0x11];
	s4 =	sshra.s32 s13, $0x1F;
	s14 =	spop (v2sf)  }
0x182: {  	s3 =	rddreg [dreg:$0xe];
	s0 =	sxor.u32 s4, s13;
	s6 =	sshra.s32 s14, $0x1F  }
0x183: {  	s16 =	spop (v2sf);
	s13 =	rddreg [dreg:$0x18];
	s0 =	ssub.s32 s0, s4  }
0x184: {  	s5 =	sxor.u32 s6, s14;
	s17 =	spop (v2sf);
	(drf) =	srem.u32 s0, s3  }
0x185: {  	s15 =	ssub.s32 s5, s6;
	s0 =	sshra.s32 s16, $0x1F;
	s9 =	sshra.s32 s17, $0x1F  }
0x186: {  	s18 =	spop (v2sf);
	(v2sf) =	vpush v3, $0x5;
	(drf) =	srem.u32 s15, s13;
	s5 =	sxor.u32 s0, s16  }
0x187: {  	s7 =	sxor.u32 s9, s17;
	s11 =	sshra.s32 s18, $0x1F;
	s5 =	ssub.s32 s5, s0  }
0x188: {  	(v2sf) =	vpush v3, $0x6;
	s19 =	ssub.s32 s7, s9;
	s23 =	sxor.u32 s11, s18;
	(drf) =	srem.u32 s5, s30  }
0x189: {  	s26 =	rddreg [dreg:$0x13];
	s25 =	ssub.s32 s23, s11;
	(drf) =	srem.u32 s19, s24  }
0x18a: {  	(v2sf) =	vpush v3, $0x7;
	(drf) =	srem.u32 s25, s26  }
0x18b: {  	(v2sf) =	vpush v3, $0x8;
	_ =	sdelay $0x1  }
0x18c: {  	(v2sf) =	vpush v3, $0x9  }
0x18d: {  	s19 =	spop (v2sf)  }
0x18e: {  	(v2sf) =	vpush v3, $0xA;
	s10 =	spop (drf)  }
0x18f: {  	s26 =	rddreg [dreg:$0x19];
	(v2sf) =	vpush v3, $0xB;
	s14 =	spop (drf);
	s5 =	sxor.u32 s4, s10  }
0x190: {  	s7 =	sxor.u32 s6, s14;
	s4 =	ssub.s32 s5, s4;
	s15 =	spop (drf)  }
0x191: {  	(v2sf) =	vpush v3, $0xC;
	s6 =	ssub.s32 s7, s6;
	s16 =	spop (drf);
	s17 =	sxor.u32 s0, s15  }
0x192: {  	s5 =	sxor.u32 s9, s16;
	s18 =	spop (drf);
	s7 =	ssub.s32 s17, s0  }
0x193: {  	(v2sf) =	vpush v3, $0xD;
	s0 =	sshra.s32 s19, $0x1F;
	s5 =	ssub.s32 s5, s9;
	s10 =	sxor.u32 s11, s18  }
0x194: {  	s23 =	spop (v2sf);
	(v2sf) =	vpush v3, $0xE;
	s24 =	sxor.u32 s0, s19;
	v3 =	vmov s6;
	s6 =	rddreg [dreg:$0x14]  }
0x195: {  	s10 =	ssub.s32 s10, s11;
	s9 =	sshra.s32 s23, $0x1F;
	s11 =	ssub.s32 s24, s0  }
0x196: {  	s25 =	spop (v2sf);
	s14 =	sxor.u32 s9, s23;
	s23 =	rddreg [dreg:$0x12]  }
0x197: {  	v3 =	vsel vm0, s4, v3;
	(drf) =	srem.u32 s11, s26;
	s26 =	rddreg [dreg:$0xb]  }
0x198: {  	s18 =	spop (v2sf);
	v3 =	vsel vm1, s7, v3;
	s7 =	rddreg [dreg:$0x10];
	s16 =	ssub.s32 s14, s9  }
0x199: {  	s14 =	sshra.s32 s25, $0x1F;
	s19 =	spop (v2sf);
	(drf) =	srem.u32 s16, s1  }
0x19a: {  	s17 =	sxor.u32 s14, s25;
	s16 =	sshra.s32 s18, $0x1F;
	s15 =	sshra.s32 s19, $0x1F  }
0x19b: {  	s25 =	spop (v2sf);
	s11 =	ssub.s32 s17, s14;
	s24 =	sxor.u32 s16, s18  }
0x19c: {  	s17 =	sxor.u32 s15, s19;
	(drf) =	srem.u32 s11, s23;
	s11 =	ssub.s32 s24, s16  }
0x19d: {  	s1 =	ssub.s32 s17, s15;
	s17 =	sshra.s32 s25, $0x1F;
	s23 =	spop (v2sf)  }
0x19e: {  	(drf) =	srem.u32 s11, s26;
	s19 =	sxor.u32 s17, s25;
	s24 =	spop (v2sf)  }
0x19f: {  	(drf) =	srem.u32 s1, s8;
	s11 =	ssub.s32 s19, s17;
	s19 =	sshra.s32 s23, $0x1F  }
0x1a0: {  	s8 =	rddreg [dreg:$0xc];
	s18 =	sshra.s32 s24, $0x1F;
	s26 =	spop (v2sf)  }
0x1a1: {  	s1 =	rddreg [dreg:$0x1a];
	(drf) =	srem.u32 s11, s8;
	s25 =	sxor.u32 s19, s23  }
0x1a2: {  	s23 =	sxor.u32 s18, s24;
	s24 =	spop (v2sf);
	s11 =	ssub.s32 s25, s19  }
0x1a3: {  	s25 =	ssub.s32 s23, s18;
	s23 =	sshra.s32 s26, $0x1F;
	(drf) =	srem.u32 s11, s1  }
0x1a4: {  	s26 =	sxor.u32 s23, s26;
	(drf) =	srem.u32 s25, s31;
	s25 =	sshra.s32 s24, $0x1F  }
0x1a5: {  	s11 =	ssub.s32 s26, s23;
	s24 =	sxor.u32 s25, s24;
	s26 =	spop (v2sf)  }
0x1a6: {  	(drf) =	srem.u32 s11, s6;
	s6 =	ssub.s32 s24, s25;
	s11 =	sshra.s32 s26, $0x1F  }
0x1a7: {  	(drf) =	srem.u32 s6, s29;
	s24 =	sxor.u32 s11, s26;
	s26 =	spop (drf)  }
0x1a8: {  	s29 =	ssub.s32 s24, s11;
	s6 =	spop (drf);
	s26 =	sxor.u32 s0, s26  }
0x1a9: {  	v3 =	vsel vm2, s5, v3;
	(drf) =	srem.u32 s29, s7;
	s29 =	spop (drf);
	s7 =	sxor.u32 s9, s6  }
0x1aa: {  	v3 =	vsel vm3, s10, v3;
	s0 =	ssub.s32 s26, s0;
	s10 =	spop (drf);
	s24 =	ssub.s32 s7, s9  }
0x1ab: {  	v3 =	vsel vm4, s0, v3;
	s26 =	sxor.u32 s14, s29;
	s29 =	spop (drf);
	s7 =	sxor.u32 s16, s10  }
0x1ac: {  	v3 =	vsel vm5, s24, v3;
	s4 =	ssub.s32 s26, s14;
	s9 =	spop (drf);
	s10 =	ssub.s32 s7, s16  }
0x1ad: {  	v3 =	vsel vm6, s4, v3;
	s14 =	sxor.u32 s15, s29;
	s16 =	spop (drf);
	s26 =	sxor.u32 s17, s9  }
0x1ae: {  	v3 =	vsel vm7, s10, v3;
	s24 =	ssub.s32 s14, s15;
	s29 =	spop (drf);
	s7 =	ssub.s32 s26, s17  }
0x1af: {  	v3 =	vsel vm8, s24, v3;
	s9 =	sxor.u32 s19, s16;
	s24 =	rddreg [dreg:$0x9];
	s10 =	spop (drf)  }
0x1b0: {  	v3 =	vsel vm9, s7, v3;
	s14 =	ssub.s32 s9, s19;
	s15 =	sxor.u32 s18, s29;
	s6 =	sadd.s32 $0xFFFFFFFE, s24  }
0x1b1: {  	s5 =	sxor.u32 s23, s10;
	v3 =	vsel vm10, s14, v3;
	s16 =	ssub.s32 s15, s18;
	s18 =	spop (drf)  }
0x1b2: {  	s17 =	ssub.s32 s5, s23;
	v3 =	vsel vm11, s16, v3;
	s19 =	sxor.u32 s25, s18;
	s23 =	spop (drf)  }
0x1b3: {  	v62 =	vor.u32 s6, v0;
	v3 =	vsel vm12, s17, v3;
	s0 =	ssub.s32 s19, s25;
	s26 =	sxor.u32 s11, s23  }
0x1b4: {  	v3 =	vsel vm13, s0, v3;
	s29 =	ssub.s32 s26, s11  }
0x1b5: {  	v3 =	vsel vm14, s29, v3  }
0x1b6: {  	v3 =	vadd.s32 v2, v3  }
0x1b7: {  	s4 =	simm.s32 $0x0;
	[tilespmem:s28+$0x10] =	vst v3  }
0x1b8: {  	v3 =	vld.idx.msk [tilespmem:v62+s4+$0x0], $0xffff;
	_ =	sdelay $0x4  }
0x1b9: {  	(v2sf) =	vpush v3, $0x0  }
0x1ba: {  	(v2sf) =	vpush v3, $0xF  }
0x1bb: {  	(v2sf) =	vpush v3, $0x1  }
0x1bc: {  	(v2sf) =	vpush v3, $0x2  }
0x1bd: {  	(v2sf) =	vpush v3, $0x3;
	_ =	sdelay $0x7  }
0x1be: {  	(v2sf) =	vpush v3, $0x4;
	_ =	sdelay $0x2  }
0x1bf: {  	s5 =	spop (v2sf)  }
0x1c0: {  	s6 =	sshra.s32 s5, $0x1F;
	s7 =	spop (v2sf)  }
0x1c1: {  	s0 =	sxor.u32 s6, s5;
	s9 =	sshra.s32 s7, $0x1F;
	s17 =	spop (v2sf)  }
0x1c2: {  	s0 =	ssub.s32 s0, s6;
	s5 =	sxor.u32 s9, s7;
	s19 =	spop (v2sf)  }
0x1c3: {  	s18 =	sshra.s32 s17, $0x1F;
	(drf) =	srem.u32 s0, s3;
	s24 =	spop (v2sf);
	(v2sf) =	vpush v3, $0x5  }
0x1c4: {  	s16 =	ssub.s32 s5, s9;
	s5 =	sxor.u32 s18, s17;
	s23 =	sshra.s32 s19, $0x1F  }
0x1c5: {  	(drf) =	srem.u32 s16, s13;
	s5 =	ssub.s32 s5, s18;
	s7 =	sxor.u32 s23, s19;
	(v2sf) =	vpush v3, $0x6  }
0x1c6: {  	s28 =	rddreg [dreg:$0xf];
	(drf) =	srem.u32 s5, s30;
	s25 =	ssub.s32 s7, s23;
	(v2sf) =	vpush v3, $0x7  }
0x1c7: {  	s11 =	sshra.s32 s24, $0x1F;
	(drf) =	srem.u32 s25, s28;
	(v2sf) =	vpush v3, $0x8  }
0x1c8: {  	s26 =	sxor.u32 s11, s24  }
0x1c9: {  	s30 =	rddreg [dreg:$0x13];
	s29 =	ssub.s32 s26, s11;
	(v2sf) =	vpush v3, $0x9  }
0x1ca: {  	(drf) =	srem.u32 s29, s30  }
0x1cb: {  	s19 =	spop (v2sf);
	(v2sf) =	vpush v3, $0xA  }
0x1cc: {  	s0 =	sshra.s32 s19, $0x1F;
	(v2sf) =	vpush v3, $0xB  }
0x1cd: {  	s3 =	rddreg [dreg:$0x12];
	s24 =	sxor.u32 s0, s19;
	s7 =	spop (drf)  }
0x1ce: {  	s28 =	rddreg [dreg:$0x17];
	s10 =	spop (drf);
	s5 =	sxor.u32 s6, s7  }
0x1cf: {  	s25 =	ssub.s32 s24, s0;
	s13 =	spop (drf);
	s4 =	ssub.s32 s5, s6  }
0x1d0: {  	(v2sf) =	vpush v3, $0xC;
	s14 =	sxor.u32 s9, s10;
	s15 =	spop (drf);
	s16 =	sxor.u32 s18, s13  }
0x1d1: {  	(v2sf) =	vpush v3, $0xD;
	s6 =	ssub.s32 s14, s9;
	s14 =	ssub.s32 s16, s18;
	s18 =	sxor.u32 s23, s15  }
0x1d2: {  	s13 =	rddreg [dreg:$0x19];
	s7 =	ssub.s32 s18, s23;
	s23 =	spop (v2sf)  }
0x1d3: {  	s17 =	spop (drf);
	(drf) =	srem.u32 s25, s13;
	s5 =	sshra.s32 s23, $0x1F  }
0x1d4: {  	s10 =	sxor.u32 s11, s17;
	(v2sf) =	vpush v3, $0xE;
	s26 =	spop (v2sf);
	s9 =	sxor.u32 s5, s23  }
0x1d5: {  	s10 =	ssub.s32 s10, s11;
	s29 =	spop (v2sf);
	s9 =	ssub.s32 s9, s5  }
0x1d6: {  	s16 =	sshra.s32 s29, $0x1F;
	s30 =	spop (v2sf);
	(drf) =	srem.u32 s9, s28  }
0x1d7: {  	s9 =	sshra.s32 s26, $0x1F;
	s15 =	sxor.u32 s16, s29;
	s18 =	sshra.s32 s30, $0x1F  }
0x1d8: {  	s29 =	rddreg [dreg:$0xb];
	s24 =	spop (v2sf);
	s11 =	sxor.u32 s9, s26  }
0x1d9: {  	s15 =	ssub.s32 s15, s16;
	s19 =	sxor.u32 s18, s30;
	s30 =	rddreg [dreg:$0x16]  }
0x1da: {  	s25 =	spop (v2sf);
	s11 =	ssub.s32 s11, s9;
	s23 =	ssub.s32 s19, s18  }
0x1db: {  	s19 =	sshra.s32 s25, $0x1F;
	s26 =	spop (v2sf);
	(drf) =	srem.u32 s11, s3  }
0x1dc: {  	s11 =	sshra.s32 s24, $0x1F;
	s17 =	sxor.u32 s19, s25;
	(drf) =	srem.u32 s15, s29  }
0x1dd: {  	s15 =	sxor.u32 s11, s24;
	s24 =	sshra.s32 s26, $0x1F;
	s17 =	ssub.s32 s17, s19  }
0x1de: {  	(drf) =	srem.u32 s23, s30;
	s15 =	ssub.s32 s15, s11;
	s23 =	sxor.u32 s24, s26  }
0x1df: {  	s26 =	spop (v2sf);
	(drf) =	srem.u32 s15, s8;
	s25 =	ssub.s32 s23, s24  }
0x1e0: {  	s15 =	sshra.s32 s26, $0x1F;
	(drf) =	srem.u32 s17, s1;
	s1 =	spop (v2sf)  }
0x1e1: {  	s17 =	sxor.u32 s15, s26;
	(drf) =	srem.u32 s25, s31;
	s25 =	sshra.s32 s1, $0x1F  }
0x1e2: {  	s17 =	ssub.s32 s17, s15;
	s31 =	sxor.u32 s25, s1;
	s1 =	rddreg [dreg:$0x14]  }
0x1e3: {  	(drf) =	srem.u32 s17, s1;
	s26 =	spop (v2sf)  }
0x1e4: {  	v3 =	vmov s6;
	s17 =	ssub.s32 s31, s25;
	s31 =	rddreg [dreg:$0x15];
	s23 =	sshra.s32 s26, $0x1F  }
0x1e5: {  	v3 =	vsel vm0, s4, v3;
	(drf) =	srem.u32 s17, s31;
	s26 =	sxor.u32 s23, s26  }
0x1e6: {  	v3 =	vsel vm1, s14, v3;
	s17 =	spop (drf);
	s14 =	ssub.s32 s26, s23;
	s26 =	rddreg [dreg:$0x10]  }
0x1e7: {  	(drf) =	srem.u32 s14, s26;
	s14 =	spop (drf)  }
0x1e8: {  	v3 =	vsel vm2, s7, v3;
	s7 =	sxor.u32 s0, s17;
	s17 =	sxor.u32 s5, s14;
	s26 =	spop (drf)  }
0x1e9: {  	v3 =	vsel vm3, s10, v3;
	s0 =	ssub.s32 s7, s0;
	s5 =	ssub.s32 s17, s5;
	s7 =	spop (drf)  }
0x1ea: {  	v3 =	vsel vm4, s0, v3;
	s6 =	sxor.u32 s9, s26;
	s10 =	sxor.u32 s16, s7;
	s14 =	spop (drf)  }
0x1eb: {  	v3 =	vsel vm5, s5, v3;
	s9 =	ssub.s32 s6, s9;
	s16 =	ssub.s32 s10, s16;
	s26 =	spop (drf)  }
0x1ec: {  	v3 =	vsel vm6, s9, v3;
	s17 =	sxor.u32 s18, s14;
	s7 =	sxor.u32 s11, s26;
	s9 =	spop (drf)  }
0x1ed: {  	v3 =	vsel vm7, s16, v3;
	s6 =	ssub.s32 s17, s18;
	s10 =	ssub.s32 s7, s11;
	s11 =	sxor.u32 s19, s9  }
0x1ee: {  	v3 =	vsel vm8, s6, v3;
	s14 =	spop (drf);
	s16 =	ssub.s32 s11, s19  }
0x1ef: {  	v3 =	vsel vm9, s10, v3;
	s17 =	sxor.u32 s24, s14;
	s18 =	spop (drf);
	s11 =	rddreg [dreg:$0x9]  }
0x1f0: {  	v3 =	vsel vm10, s16, v3;
	s19 =	ssub.s32 s17, s24;
	s24 =	sxor.u32 s15, s18;
	s26 =	spop (drf)  }
0x1f1: {  	v3 =	vsel vm11, s19, v3;
	s4 =	ssub.s32 s24, s15;
	s6 =	sxor.u32 s25, s26;
	s7 =	spop (drf)  }
0x1f2: {  	v63 =	vor.u32 s11, v0;
	v3 =	vsel vm12, s4, v3;
	s9 =	ssub.s32 s6, s25;
	s10 =	sxor.u32 s23, s7  }
0x1f3: {  	v3 =	vsel vm13, s9, v3;
	s14 =	ssub.s32 s10, s23  }
0x1f4: {  	v3 =	vsel vm14, s14, v3  }
0x1f5: {  	s26 =	rddreg [dreg:$0xa];
	v3 =	vadd.s32 v2, v3  }
0x1f6: {  	s15 =	simm.s32 $0x0;
	[tilespmem:s26+$0x20] =	vst v3  }
0x1f7: {  	v3 =	vld.idx.msk [tilespmem:v63+s15+$0x0], $0xffff;
	_ =	sdelay $0x4  }
0x1f8: {  	(v2sf) =	vpush v3, $0x0  }
0x1f9: {  	(v2sf) =	vpush v3, $0xF  }
0x1fa: {  	(v2sf) =	vpush v3, $0x1;
	_ =	sdelay $0x1  }
0x1fb: {  	(v2sf) =	vpush v3, $0x2  }
0x1fc: {  	(v2sf) =	vpush v3, $0x3;
	_ =	sdelay $0x1  }
0x1fd: {  	(v2sf) =	vpush v3, $0x4;
	_ =	sdelay $0x1  }
0x1fe: {  	(v2sf) =	vpush v3, $0x5  }
0x1ff: {  	(v2sf) =	vpush v3, $0x6;
	_ =	sdelay $0x1  }
0x200: {  	(v2sf) =	vpush v3, $0x7;
	_ =	sdelay $0x1  }
0x201: {  	s19 =	rddreg [dreg:$0xe];
	(v2sf) =	vpush v3, $0x8  }
0x202: {  	s25 =	rddreg [dreg:$0x18];
	s16 =	spop (v2sf)  }
0x203: {  	s14 =	rddreg [dreg:$0x11];
	s6 =	sshra.s32 s16, $0x1F;
	s17 =	spop (v2sf)  }
0x204: {  	(v2sf) =	vpush v3, $0x9;
	s0 =	sxor.u32 s6, s16;
	s7 =	sshra.s32 s17, $0x1F;
	s18 =	spop (v2sf)  }
0x205: {  	s0 =	ssub.s32 s0, s6;
	s4 =	sxor.u32 s7, s17;
	s15 =	sshra.s32 s18, $0x1F  }
0x206: {  	s24 =	spop (v2sf);
	(drf) =	srem.u32 s0, s19;
	s23 =	ssub.s32 s4, s7  }
0x207: {  	(v2sf) =	vpush v3, $0xA;
	s10 =	sxor.u32 s15, s18;
	s16 =	sshra.s32 s24, $0x1F;
	s11 =	spop (v2sf)  }
0x208: {  	(drf) =	srem.u32 s23, s25;
	s0 =	ssub.s32 s10, s15;
	s23 =	rddreg [dreg:$0xf]  }
0x209: {  	(v2sf) =	vpush v3, $0xB;
	s17 =	sxor.u32 s16, s24;
	s19 =	spop (v2sf);
	s25 =	rddreg [dreg:$0x13]  }
0x20a: {  	(drf) =	srem.u32 s0, s14;
	s14 =	sshra.s32 s11, $0x1F;
	s0 =	ssub.s32 s17, s16  }
0x20b: {  	(v2sf) =	vpush v3, $0xC;
	s24 =	spop (v2sf);
	s18 =	sxor.u32 s14, s11;
	(drf) =	srem.u32 s0, s23  }
0x20c: {  	s0 =	sshra.s32 s19, $0x1F;
	s11 =	spop (v2sf);
	s4 =	ssub.s32 s18, s14  }
0x20d: {  	(v2sf) =	vpush v3, $0xD;
	s10 =	sxor.u32 s0, s19;
	(drf) =	srem.u32 s4, s25;
	s4 =	sshra.s32 s24, $0x1F  }
0x20e: {  	s17 =	spop (v2sf);
	s5 =	ssub.s32 s10, s0;
	s9 =	sxor.u32 s4, s24  }
0x20f: {  	(drf) =	srem.u32 s5, s13;
	s5 =	sshra.s32 s11, $0x1F;
	s9 =	ssub.s32 s9, s4  }
0x210: {  	(v2sf) =	vpush v3, $0xE;
	s19 =	spop (v2sf);
	s10 =	sxor.u32 s5, s11;
	(drf) =	srem.u32 s9, s28  }
0x211: {  	s18 =	ssub.s32 s10, s5;
	s9 =	sshra.s32 s17, $0x1F;
	s23 =	spop (drf)  }
0x212: {  	(drf) =	srem.u32 s18, s3;
	s11 =	sxor.u32 s9, s17;
	s25 =	spop (drf)  }
0x213: {  	s10 =	sxor.u32 s6, s23;
	s11 =	ssub.s32 s11, s9;
	s24 =	spop (v2sf)  }
0x214: {  	s6 =	ssub.s32 s10, s6;
	s10 =	sshra.s32 s19, $0x1F;
	(drf) =	srem.u32 s11, s29  }
0x215: {  	s28 =	sxor.u32 s7, s25;
	s3 =	spop (drf);
	s17 =	sxor.u32 s10, s19  }
0x216: {  	s19 =	spop (v2sf);
	s11 =	sshra.s32 s24, $0x1F;
	s7 =	ssub.s32 s28, s7  }
0x217: {  	s25 =	spop (drf);
	s29 =	ssub.s32 s17, s10;
	s17 =	sxor.u32 s15, s3  }
0x218: {  	s18 =	sxor.u32 s11, s24;
	s13 =	spop (v2sf);
	(drf) =	srem.u32 s29, s30  }
0x219: {  	s15 =	ssub.s32 s17, s15;
	s24 =	ssub.s32 s18, s11;
	s17 =	sshra.s32 s19, $0x1F  }
0x21a: {  	s28 =	spop (v2sf);
	s18 =	sxor.u32 s16, s25;
	s30 =	rddreg [dreg:$0x1a]  }
0x21b: {  	s3 =	spop (drf);
	(drf) =	srem.u32 s24, s8;
	s19 =	sxor.u32 s17, s19  }
0x21c: {  	s16 =	ssub.s32 s18, s16;
	s8 =	spop (v2sf);
	s18 =	sxor.u32 s14, s3  }
0x21d: {  	s29 =	ssub.s32 s19, s17;
	s19 =	sshra.s32 s13, $0x1F;
	s14 =	ssub.s32 s18, s14  }
0x21e: {  	s18 =	rddreg [dreg:$0xd];
	(drf) =	srem.u32 s29, s30;
	s23 =	sxor.u32 s19, s13  }
0x21f: {  	s13 =	sshra.s32 s28, $0x1F;
	s29 =	spop (v2sf);
	s23 =	ssub.s32 s23, s19  }
0x220: {  	s28 =	sxor.u32 s13, s28;
	s25 =	sshra.s32 s29, $0x1F;
	(drf) =	srem.u32 s23, s18  }
0x221: {  	s23 =	sshra.s32 s8, $0x1F;
	s30 =	ssub.s32 s28, s13;
	s18 =	spop (drf)  }
0x222: {  	v3 =	vmov s7;
	s3 =	sxor.u32 s23, s8;
	(drf) =	srem.u32 s30, s1;
	s8 =	sxor.u32 s25, s29  }
0x223: {  	v3 =	vsel vm0, s6, v3;
	s28 =	sxor.u32 s0, s18;
	s29 =	spop (drf);
	s7 =	ssub.s32 s3, s23  }
0x224: {  	v3 =	vsel vm1, s15, v3;
	s30 =	rddreg [dreg:$0x10];
	s24 =	ssub.s32 s8, s25;
	(drf) =	srem.u32 s7, s31  }
0x225: {  	v3 =	vsel vm2, s16, v3;
	s8 =	sxor.u32 s4, s29;
	s31 =	spop (drf);
	(drf) =	srem.u32 s24, s30  }
0x226: {  	v3 =	vsel vm3, s14, v3;
	s0 =	ssub.s32 s28, s0;
	s15 =	ssub.s32 s8, s4;
	s14 =	spop (drf)  }
0x227: {  	v3 =	vsel vm4, s0, v3;
	s1 =	sxor.u32 s5, s31;
	s16 =	spop (drf);
	s24 =	sxor.u32 s9, s14  }
0x228: {  	v3 =	vsel vm5, s15, v3;
	s18 =	ssub.s32 s1, s5;
	s28 =	spop (drf);
	s29 =	ssub.s32 s24, s9  }
0x229: {  	v3 =	vsel vm6, s18, v3;
	s30 =	sxor.u32 s10, s16;
	s31 =	spop (drf);
	s6 =	sxor.u32 s11, s28  }
0x22a: {  	v3 =	vsel vm7, s29, v3;
	s5 =	ssub.s32 s30, s10;
	s8 =	ssub.s32 s6, s11;
	s9 =	sxor.u32 s17, s31  }
0x22b: {  	v3 =	vsel vm8, s5, v3;
	s31 =	rddreg [dreg:$0x9];
	s7 =	spop (drf);
	s11 =	ssub.s32 s9, s17  }
0x22c: {  	v3 =	vsel vm9, s8, v3;
	p0 =	sne.s32 s31, $0x1FE;
	s10 =	spop (drf);
	s14 =	sxor.u32 s19, s7  }
0x22d: {  	v3 =	vsel vm10, s11, v3;
	s16 =	ssub.s32 s14, s19;
	s17 =	sxor.u32 s13, s10;
	s15 =	spop (drf)  }
0x22e: {  	v3 =	vsel vm11, s16, v3;
	s18 =	ssub.s32 s17, s13;
	s19 =	sxor.u32 s23, s15;
	s24 =	spop (drf)  }
.Ltmp0:
0x22f: {  	v3 =	vsel vm12, s18, v3;
	s28 =	ssub.s32 s19, s23;
	s29 =	sxor.u32 s25, s24;
	(pc) =	sbr.rel @p0 .LBB2_2-.Ltmp0, $4  }
0x230: {  	v3 =	vsel vm13, s28, v3;
	s30 =	ssub.s32 s29, s25  }
0x231: {  	v3 =	vsel vm14, s30, v3  }
0x232: {  	v3 =	vadd.s32 v2, v3  }
0x233: {  	s0 =	sadd.s32 $0x10, s31;
	[tilespmem:s26+$0x30] =	vst v3;
	s26 =	sadd.s32 $0x80, s26  }
0x234: {  	s0 =	simm.s32 $0x300;
	s7 =	simm.s32 $0x1300  }
0x235: {  	[tilespmem:s7], [sflag:$0x1] =	stream.indirect.gather [hbm4b:s2+s12], $0x80, s0, s12, $0xb8;
	[tilespmem:$0x11300] =	vst v63  }
0x236: {  	s28 =	simm.s32 $0x380;
	s9 =	simm.s32 $0x5300;
	s10 =	simm.s32 $0x1  }
0x237: {  	[tilespmem:s9], [sflag:$0x2] =	stream.indirect.gather [hbm4b:s2+s12], $0x80, s28, s12, $0xb8;
	[tilespmem:$0x11300] =	vst v63  }
0x238: {  	_ =	swait.ge [sflag:s10], $0x4000  }
0x239: {  	[sflag:s10] =	ssyncset.done $0x0  }
0x23a: {  	s11 =	simm.s32 $0x2;
	[sflag:s10] =	ssyncadd.s32 $0xFFFFC000  }
0x23b: {  	_ =	swait.ge [sflag:s11], $0x4000  }
0x23c: {  	[sflag:s11] =	ssyncset.done $0x0;
	s3 =	rddreg [dreg:$0x7]  }
0x23d: {  	s8 =	simm.s32 $0x0;
	[sflag:s11] =	ssyncadd.s32 $0xFFFFC000;
	s29 =	sadd.s32 $0xFFFFF000, s3  }
0x23e: {  	[hbm4b:s29+s8] =	stream.linear.scatter [tilespmem:s7], [sflag:$0x5], $0x8000, $0x38;
	[tilespmem:$0x11300] =	vst v63  }
0x23f: {  	s30 =	simm.s32 $0x400;
	s13 =	simm.s32 $0x9300  }
0x240: {  	[tilespmem:s13], [sflag:$0x3] =	stream.indirect.gather [hbm4b:s2+s12], $0x80, s30, s12, $0xb8;
	[tilespmem:$0x11300] =	vst v63  }
0x241: {  	s31 =	simm.s32 $0x480;
	s14 =	simm.s32 $0xD300;
	s15 =	simm.s32 $0x3  }
0x242: {  	[tilespmem:s14], [sflag:$0x4] =	stream.indirect.gather [hbm4b:s2+s12], $0x80, s31, s12, $0xb8;
	[tilespmem:$0x11300] =	vst v63  }
0x243: {  	_ =	swait.ge [sflag:s15], $0x4000  }
0x244: {  	[sflag:s15] =	ssyncset.done $0x0  }
0x245: {  	[sflag:s15] =	ssyncadd.s32 $0xFFFFC000  }
0x246: {  	_ =	swait.ge [sflag:s20], $0x4000  }
0x247: {  	[sflag:s20] =	ssyncset.done $0x0  }
0x248: {  	[sflag:s20] =	ssyncadd.s32 $0xFFFFC000  }
0x249: {  	[hbm4b:s3+s8] =	stream.linear.scatter [tilespmem:s13], [sflag:$0x6], $0x8000, $0x38;
	[tilespmem:$0x11300] =	vst v63  }
0x24a: {  	_ =	swait.ge [sflag:s21], $0x8000  }
0x24b: {  	[sflag:s21] =	ssyncset.done $0x0  }
0x24c: {  	[sflag:s21] =	ssyncadd.s32 $0xFFFF8000  }
0x24d: {  	s4 =	simm.s32 $0x1000;
	_ =	swait.ge [sflag:s22], $0x8000  }
0x24e: {  	s1 =	simm.s32 $0x200;
	s0 =	sadd.s32 $0x2000, s3;
	[sflag:s22] =	ssyncset.done $0x0  }
.LBB2_4:
0x24f: {  	s3 =	sadd.s32 $0x300, s1  }
0x250: {  	[sflag:s22] =	ssyncadd.s32 $0xFFFF8000;
	s5 =	smov.u32 s4;
	s6 =	sadd.s32 $0x800, s4  }
0x251: {  	[tilespmem:s7], [sflag:$0x1] =	stream.indirect.gather [hbm4b:s2+s12], $0x80, s3, s12, $0xb8;
	[tilespmem:$0x11300] =	vst v63  }
0x252: {  	p0 =	sne.s32 s4, $0x3800;
	s3 =	sadd.s32 $0x380, s1  }
0x253: {  	[tilespmem:s9], [sflag:$0x2] =	stream.indirect.gather [hbm4b:s2+s12], $0x80, s3, s12, $0xb8;
	[tilespmem:$0x11300] =	vst v63  }
0x254: {  	_ =	swait.ge [sflag:s10], $0x4000  }
0x255: {  	[sflag:s10] =	ssyncset.done $0x0  }
0x256: {  	[sflag:s10] =	ssyncadd.s32 $0xFFFFC000  }
0x257: {  	_ =	swait.ge [sflag:s11], $0x4000  }
0x258: {  	[sflag:s11] =	ssyncset.done $0x0  }
0x259: {  	s3 =	sadd.s32 $0xFFFFF000, s0;
	[sflag:s11] =	ssyncadd.s32 $0xFFFFC000  }
0x25a: {  	[hbm4b:s3+s8] =	stream.linear.scatter [tilespmem:s7], [sflag:$0x5], $0x8000, $0x38;
	[tilespmem:$0x11300] =	vst v63  }
0x25b: {  	s3 =	sadd.s32 $0x400, s1  }
0x25c: {  	[tilespmem:s13], [sflag:$0x3] =	stream.indirect.gather [hbm4b:s2+s12], $0x80, s3, s12, $0xb8;
	[tilespmem:$0x11300] =	vst v63  }
0x25d: {  	s1 =	sadd.s32 $0x480, s1  }
0x25e: {  	[tilespmem:s14], [sflag:$0x4] =	stream.indirect.gather [hbm4b:s2+s12], $0x80, s1, s12, $0xb8;
	[tilespmem:$0x11300] =	vst v63  }
0x25f: {  	_ =	swait.ge [sflag:s15], $0x4000  }
0x260: {  	[sflag:s15] =	ssyncset.done $0x0  }
0x261: {  	[sflag:s15] =	ssyncadd.s32 $0xFFFFC000  }
0x262: {  	_ =	swait.ge [sflag:s20], $0x4000  }
0x263: {  	[sflag:s20] =	ssyncset.done $0x0  }
0x264: {  	[sflag:s20] =	ssyncadd.s32 $0xFFFFC000  }
0x265: {  	[hbm4b:s0+s8] =	stream.linear.scatter [tilespmem:s13], [sflag:$0x6], $0x8000, $0x38;
	[tilespmem:$0x11300] =	vst v63  }
.Ltmp1:
0x266: {  	_ =	swait.ge [sflag:s21], $0x8000;
	(pc) =	sbr.rel @p0 .LBB2_4-.Ltmp1, $4  }
0x267: {  	[sflag:s21] =	ssyncset.done $0x0  }
0x268: {  	[sflag:s21] =	ssyncadd.s32 $0xFFFF8000  }
0x269: {  	s4 =	smov.u32 s6;
	_ =	swait.ge [sflag:s22], $0x8000  }
0x26a: {  	s1 =	sshra.s32 s5, $0x2;
	s0 =	sadd.s32 $0x2000, s0;
	[sflag:s22] =	ssyncset.done $0x0  }
0x26b: {  	s3 =	sadd.s32 $0x300, s1;
	[sflag:s22] =	ssyncadd.s32 $0xFFFF8000  }
0x26c: {  	[tilespmem:s7], [sflag:$0x1] =	stream.indirect.gather [hbm4b:s2+s12], $0x80, s3, s12, $0xb8;
	[tilespmem:$0x11300] =	vst v63  }
0x26d: {  	s25 =	sadd.s32 $0x380, s1  }
0x26e: {  	[tilespmem:s9], [sflag:$0x2] =	stream.indirect.gather [hbm4b:s2+s12], $0x80, s25, s12, $0xb8;
	[tilespmem:$0x11300] =	vst v63  }
0x26f: {  	_ =	swait.ge [sflag:s10], $0x4000  }
0x270: {  	[sflag:s10] =	ssyncset.done $0x0  }
0x271: {  	[sflag:s10] =	ssyncadd.s32 $0xFFFFC000  }
0x272: {  	_ =	swait.ge [sflag:s11], $0x4000  }
0x273: {  	[sflag:s11] =	ssyncset.done $0x0  }
0x274: {  	s26 =	sadd.s32 $0xFFFFF000, s0;
	[sflag:s11] =	ssyncadd.s32 $0xFFFFC000  }
0x275: {  	[hbm4b:s26+s8] =	stream.linear.scatter [tilespmem:s7], [sflag:$0x5], $0x8000, $0x38;
	[tilespmem:$0x11300] =	vst v63  }
0x276: {  	s28 =	sadd.s32 $0x400, s1  }
0x277: {  	[tilespmem:s13], [sflag:$0x3] =	stream.indirect.gather [hbm4b:s2+s12], $0x80, s28, s12, $0xb8;
	[tilespmem:$0x11300] =	vst v63  }
0x278: {  	s29 =	sadd.s32 $0x480, s1  }
0x279: {  	[tilespmem:s14], [sflag:$0x4] =	stream.indirect.gather [hbm4b:s2+s12], $0x80, s29, s12, $0xb8;
	[tilespmem:$0x11300] =	vst v63  }
0x27a: {  	_ =	swait.ge [sflag:s15], $0x4000  }
0x27b: {  	[sflag:s15] =	ssyncset.done $0x0  }
0x27c: {  	[sflag:s15] =	ssyncadd.s32 $0xFFFFC000  }
0x27d: {  	_ =	swait.ge [sflag:s20], $0x4000  }
0x27e: {  	[sflag:s20] =	ssyncset.done $0x0  }
0x27f: {  	[sflag:s20] =	ssyncadd.s32 $0xFFFFC000  }
0x280: {  	[hbm4b:s0+s8] =	stream.linear.scatter [tilespmem:s13], [sflag:$0x6], $0x8000, $0x38;
	[tilespmem:$0x11300] =	vst v63  }
0x281: {  	_ =	swait.ge [sflag:s21], $0x8000  }
0x282: {  	[sflag:s21] =	ssyncset.done $0x0  }
0x283: {  	[sflag:s21] =	ssyncadd.s32 $0xFFFF8000  }
0x284: {  	_ =	swait.ge [sflag:s22], $0x8000  }
0x285: {  	s30 =	rddreg [dreg:$0x8]  }
0x286: {  	s31 =	rddreg [dreg:$0x6];
	s1 =	sadd.s32 $0x1, s30  }
0x287: {  	p0 =	sne.s32 s1, s31  }
.Ltmp2:
0x288: {  	_ = 	snop;
	(pc) =	sbr.rel @p0 .LBB2_1-.Ltmp2, $3  }
0x289: {  	_ =	sdelay $0x1  }
0x28a: {  	[sflag:s22] =	ssyncset.done $0x0  }
0x28b: {  	[sflag:s22] =	ssyncadd.s32 $0xFFFF8000  }
0x28c: {  	_ =	sfence.sel $0x180000  }
0x28d: {  	[bflag:$0x0] =	sbarrier.arrive $0xFFFF  }
0x28e: {  	_ =	strace $0x90000047  }
0x28f: {  	s0 =	stileid.u32;
	[bflag:$0x2] =	sbarrier.arrive $0xFFFF  }
0x290: {  	p0 =	sne.s32 s0, $0x0;
	s0 =	rddreg [dreg:$0x2]  }
0x291: {  	s0 =	sadd.s32 @!p0 $0x100000, s0  }
0x292: {  	[sflag:s0] =	ssyncadd.tile.s32 @!p0 $0x1;
	_ =	shalt  }
.Lfunc_end2:
_tile_overlayer_lowered:
.L_overlay_start_2:
0x293: {  	(tag) =	ssettag $0x2  }
0x294: {  	s0 =	rddreg [dreg:$0x0];
	s2 =	stileid.u32  }
0x295: {  	s1 =	rddreg [dreg:$0x1];
	p0 =	sne.s32 s2, $0x0  }
0x296: {  	s3 =	rddreg [dreg:$0x2];
	[bflag:$0x3] =	sbarrier.arrive $0xFFFF;
	s2 =	simm.s32 @!p0 $0x1C07  }
0x297: {  	[timem:s3], [sflag:s2] =	dma.local @!p0 [hbm:s0], s1  }
0x298: {  	s0 =	simm.s32 @!p0 $0x7  }
0x299: {  	_ =	swait.ge @!p0 [sflag:s0], s1  }
0x29a: {  	s1 =	ssub.s32 @!p0 $0x0, s1;
	[sflag:s0] =	ssyncset.done @!p0 $0x0  }
0x29b: {  	[sflag:s0] =	ssyncadd.s32 @!p0 s1  }
0x29c: {  	[bflag:$0x3] =	sbarrier.arrive $0xFFFF  }
0x29d: {  	_ =	shalt  }

</sc_bundles>
